<compile_context>
chip_gen: v7x
topology: tpu7x:2x2x1
jax: 0.10.2.dev20260603
libtpu: 0.0.44.dev20260713+nightly
codegen_flags: <defaults>
</compile_context>

<pallas_src>
import jax
import jax.numpy as jnp
from jax import lax
from jax.experimental import pallas as pl
from jax.experimental.pallas import tpu as pltpu
from jax.experimental.pallas import tpu_sc as plsc

N_NODES = 10000
N_EDGES = 320000
DIM = 128
NUM_EMB = 4

NC = 2
NS = 16
TILES = NC * NS
TE = N_EDGES // TILES
CHUNK = 128
NCHG = N_EDGES // CHUNK
NCH_BASE = NCHG // TILES
NCH_REM = NCHG % TILES
NBUF = 3
DBUF = 2 * NBUF
ROWS_A = 632
ROWS_B = N_NODES - 15 * ROWS_A
ZROWS = 640


def _prep_body(x_ref, t_ref, src_ref, attr_ref, xt_ref, idx_ref, z_ref):
    xv = x_ref[...]
    for a in range(NUM_EMB):
        xt_ref[:, a, :] = jnp.maximum(xv + t_ref[a:a + 1, :], 0.0)
    idx_ref[...] = src_ref[...] * NUM_EMB + attr_ref[...]
    z_ref[...] = jnp.zeros(z_ref.shape, z_ref.dtype)


def _prep(x, table, src, attr):
    grid = 10
    bn = N_NODES // grid
    er = N_EDGES // DIM
    bz = ZROWS // grid
    src2 = src.reshape(er, DIM)
    attr2 = attr.reshape(er, DIM)
    return pl.pallas_call(
        _prep_body,
        grid=(grid,),
        in_specs=[
            pl.BlockSpec((bn, DIM), lambda i: (i, 0)),
            pl.BlockSpec((NUM_EMB, DIM), lambda i: (0, 0)),
            pl.BlockSpec((er, DIM), lambda i: (0, 0)),
            pl.BlockSpec((er, DIM), lambda i: (0, 0)),
        ],
        out_specs=[
            pl.BlockSpec((bn, NUM_EMB, DIM), lambda i: (i, 0, 0)),
            pl.BlockSpec((er, DIM), lambda i: (0, 0)),
            pl.BlockSpec((bz, DIM), lambda i: (i, 0)),
        ],
        out_shape=[
            jax.ShapeDtypeStruct((N_NODES, NUM_EMB, DIM), jnp.float32),
            jax.ShapeDtypeStruct((er, DIM), jnp.int32),
            jax.ShapeDtypeStruct((ZROWS, DIM), jnp.float32),
        ],
    )(x, table, src2, attr2)


def _sc_body(xt_hbm, idx_hbm, dst_hbm, zero_hbm, out_hbm,
             idx_v, dst_v, rows_v, sem_i, sem_g, sem_s, aggr_sh):
    c = lax.axis_index("c")
    s = lax.axis_index("s")
    w = c * NS + s

    nch = NCH_BASE + jnp.where(w < NCH_REM, 1, 0)

    def base_of(k):
        return pl.multiple_of((w + k * TILES) * CHUNK, 8)

    def load_indices(k):
        bi = lax.rem(k, NBUF)
        bd = lax.rem(k, DBUF)
        pltpu.async_copy(idx_hbm.at[pl.ds(base_of(k), CHUNK)], idx_v.at[bi], sem_i.at[bi])
        pltpu.async_copy(dst_hbm.at[pl.ds(base_of(k), CHUNK)], dst_v.at[bd], sem_i.at[bi])

    def wait_indices(k):
        bi = lax.rem(k, NBUF)
        bd = lax.rem(k, DBUF)
        pltpu.make_async_copy(idx_hbm.at[pl.ds(base_of(k), CHUNK)], idx_v.at[bi], sem_i.at[bi]).wait()
        pltpu.make_async_copy(dst_hbm.at[pl.ds(base_of(k), CHUNK)], dst_v.at[bd], sem_i.at[bi]).wait()

    def start_gather(k):
        b = lax.rem(k, NBUF)
        pltpu.async_copy(xt_hbm.at[idx_v.at[b]], rows_v.at[b], sem_g.at[b])

    def wait_gather(k):
        b = lax.rem(k, NBUF)
        pltpu.make_async_copy(xt_hbm.at[idx_v.at[b]], rows_v.at[b], sem_g.at[b]).wait()

    def start_scatter(k):
        b = lax.rem(k, NBUF)
        bd = lax.rem(k, DBUF)
        pltpu.async_copy(rows_v.at[b], aggr_sh.at[dst_v.at[bd]], sem_s.at[b], add=True)

    def wait_scatter(k):
        b = lax.rem(k, NBUF)
        bd = lax.rem(k, DBUF)
        pltpu.make_async_copy(rows_v.at[b], aggr_sh.at[dst_v.at[bd]], sem_s.at[b]).wait()

    load_indices(0)
    load_indices(1)
    load_indices(2)
    wait_indices(0)
    start_gather(0)
    wait_indices(1)
    start_gather(1)

    @pl.when(s < NS - 1)
    def _():
        pltpu.sync_copy(zero_hbm.at[pl.ds(0, ROWS_A)],
                        aggr_sh.at[pl.ds(s * ROWS_A, ROWS_A)])

    @pl.when(s == NS - 1)
    def _():
        pltpu.sync_copy(zero_hbm.at[pl.ds(0, ROWS_B)],
                        aggr_sh.at[pl.ds((NS - 1) * ROWS_A, ROWS_B)])

    plsc.subcore_barrier()

    def chunk(k, carry):
        wait_gather(k)

        @pl.when(k >= 1)
        def _():
            wait_scatter(k - 1)

        @pl.when(k + 2 < nch)
        def _():
            wait_indices(k + 2)
            start_gather(k + 2)

        start_scatter(k)

        @pl.when(k + 3 < nch)
        def _():
            load_indices(k + 3)

        return carry

    lax.fori_loop(0, nch, chunk, 0)
    wait_scatter(nch - 1)
    plsc.subcore_barrier()

    @pl.when(s < NS - 1)
    def _():
        pltpu.sync_copy(aggr_sh.at[pl.ds(s * ROWS_A, ROWS_A)],
                        out_hbm.at[c, pl.ds(s * ROWS_A, ROWS_A)])

    @pl.when(s == NS - 1)
    def _():
        pltpu.sync_copy(aggr_sh.at[pl.ds((NS - 1) * ROWS_A, ROWS_B)],
                        out_hbm.at[c, pl.ds((NS - 1) * ROWS_A, ROWS_B)])


def _scatter(xt, idx, dst, zeros):
    fn = pl.kernel(
        _sc_body,
        out_type=jax.ShapeDtypeStruct((NC, N_NODES, DIM), jnp.float32),
        mesh=plsc.VectorSubcoreMesh(core_axis_name="c", subcore_axis_name="s"),
        scratch_types=[
            pltpu.VMEM((NBUF, CHUNK), jnp.int32),
            pltpu.VMEM((DBUF, CHUNK), jnp.int32),
            pltpu.VMEM((NBUF, CHUNK, DIM), jnp.float32),
            pltpu.SemaphoreType.DMA((NBUF,)),
            pltpu.SemaphoreType.DMA((NBUF,)),
            pltpu.SemaphoreType.DMA((NBUF,)),
            pltpu.VMEM_SHARED((N_NODES, DIM), jnp.float32),
        ],
    )
    return fn(xt, idx, dst, zeros)


def _mlp_body(x_ref, p_ref, w1_ref, b1_ref, g_ref, be_ref, w2_ref, b2_ref,
              eps_ref, o_ref):
    h = x_ref[...] * (1.0 + eps_ref[0]) + p_ref[0] + p_ref[1]
    h1 = jnp.dot(h, w1_ref[...], preferred_element_type=jnp.float32) + b1_ref[...]
    mu = jnp.mean(h1, axis=0, keepdims=True)
    var = jnp.mean(jnp.square(h1 - mu), axis=0, keepdims=True)
    hn = (h1 - mu) / jnp.sqrt(var + 1e-5) * g_ref[...] + be_ref[...]
    h2 = jnp.maximum(hn, 0.0)
    o_ref[...] = jnp.dot(h2, w2_ref[...], preferred_element_type=jnp.float32) + b2_ref[...]


def _mlp(x, partials, W1, b1, gamma, beta, W2, b2, eps):
    return pl.pallas_call(
        _mlp_body,
        in_specs=[
            pl.BlockSpec(memory_space=pltpu.VMEM),
            pl.BlockSpec(memory_space=pltpu.VMEM),
            pl.BlockSpec(memory_space=pltpu.VMEM),
            pl.BlockSpec(memory_space=pltpu.VMEM),
            pl.BlockSpec(memory_space=pltpu.VMEM),
            pl.BlockSpec(memory_space=pltpu.VMEM),
            pl.BlockSpec(memory_space=pltpu.VMEM),
            pl.BlockSpec(memory_space=pltpu.VMEM),
            pl.BlockSpec(memory_space=pltpu.SMEM),
        ],
        out_shape=jax.ShapeDtypeStruct((N_NODES, DIM), jnp.float32),
    )(x, partials, W1, b1.reshape(1, DIM), gamma.reshape(1, DIM),
      beta.reshape(1, DIM), W2, b2.reshape(1, DIM), eps.reshape(1))


def kernel(x, edge_index, edge_attr, W1, b1, gamma, beta, W2, b2, edge_table, eps):
    src = edge_index[0].astype(jnp.int32)
    dst = edge_index[1].astype(jnp.int32)
    attr = edge_attr.astype(jnp.int32)
    xt3, idx2, zeros = _prep(x, edge_table, src, attr)
    xt = xt3.reshape(N_NODES * NUM_EMB, DIM)
    idx = idx2.reshape(N_EDGES)
    partials = _scatter(xt, idx, dst, zeros)
    return _mlp(x, partials, W1, b1, gamma, beta, W2, b2, eps)

# --- scband reference (transcript-rebuilt; emitter-appended) ---
"""Pipeline reference for scband-custom-gine-81758997447423 (READ-ONLY COPY).

The authoritative reference and input builder live on the scoring server;
editing this copy changes nothing except your own understanding.
"""

import jax, jax.numpy as jnp
import numpy as np

N_NODES = 10000
N_EDGES = 320000
IN_DIM = 128
EMB_DIM = 128
NUM_EDGE_EMB = 4


def setup_inputs(seed: int = 0) -> dict:
    key = jax.random.key(seed)
    k_x, k_ei, k_ea, k_w1, k_b1, k_w2, k_b2, k_emb = jax.random.split(key, 8)
    x = jax.random.normal(k_x, (N_NODES, IN_DIM), dtype=jnp.float32)
    edge_index = jax.random.randint(k_ei, (2, N_EDGES), 0, N_NODES, dtype=jnp.int64)
    edge_attr = jax.random.randint(k_ea, (N_EDGES,), 0, NUM_EDGE_EMB, dtype=jnp.int64)
    # learned parameters
    W1 = jax.random.normal(k_w1, (IN_DIM, EMB_DIM), dtype=jnp.float32) * (1.0 / np.sqrt(IN_DIM))
    b1 = jnp.zeros((EMB_DIM,), dtype=jnp.float32)
    gamma = jnp.ones((EMB_DIM,), dtype=jnp.float32)
    beta = jnp.zeros((EMB_DIM,), dtype=jnp.float32)
    W2 = jax.random.normal(k_w2, (EMB_DIM, EMB_DIM), dtype=jnp.float32) * (1.0 / np.sqrt(EMB_DIM))
    b2 = jnp.zeros((EMB_DIM,), dtype=jnp.float32)
    edge_table = jax.random.normal(k_emb, (NUM_EDGE_EMB, IN_DIM), dtype=jnp.float32)
    eps = jnp.zeros((), dtype=jnp.float32)  # train_eps=True, initialized at 0
    return {"x": x, "edge_index": edge_index, "edge_attr": edge_attr,
            "W1": W1, "b1": b1, "gamma": gamma, "beta": beta,
            "W2": W2, "b2": b2, "edge_table": edge_table, "eps": eps}


def reference(x, edge_index, edge_attr, W1, b1, gamma, beta, W2, b2, edge_table, eps):
    # edge embedding lookup (gather)
    e = jnp.take(edge_table, edge_attr, axis=0)  # [E, in_dim]
    src = edge_index[0]
    dst = edge_index[1]
    # GINE message: relu(x_j + e_ji), gathered from source nodes
    msg = jax.nn.relu(jnp.take(x, src, axis=0) + e)  # [E, in_dim]
    # scatter-add aggregation to destination nodes
    aggr = jnp.zeros_like(x).at[dst].add(msg)  # [N, in_dim]
    h = (1.0 + eps) * x + aggr
    # MLP: Linear -> BatchNorm1d (batch stats, training mode) -> ReLU -> Linear
    h = h @ W1 + b1
    mean = jnp.mean(h, axis=0)
    var = jnp.var(h, axis=0)
    h = (h - mean) / jnp.sqrt(var + 1e-5) * gamma + beta
    h = jax.nn.relu(h)
    out = h @ W2 + b2
    return out

if __name__ == "__main__":
    import jax
    _d = setup_inputs()
    print(jax.jit(kernel)(*tuple(_d.values())))

</pallas_src>

<mosaic_0001>
#map = affine_map<(d0, d1) -> (0, 0)>
#map1 = affine_map<(d0, d1) -> (0)>
#map2 = affine_map<(d0, d1) -> (0, 0, 0)>
module attributes {stable_mosaic.version = 14 : i64} {
  func.func @_sc_body(%arg0: i32, %arg1: i32, %arg2: memref<40000x128xf32, #tpu.memory_space<hbm>>, %arg3: memref<320000xi32, #tpu.memory_space<hbm>>, %arg4: memref<320000xi32, #tpu.memory_space<hbm>>, %arg5: memref<640x128xf32, #tpu.memory_space<hbm>>, %arg6: memref<2x10000x128xf32, #tpu.memory_space<hbm>>, %arg7: memref<3x128xi32, #tpu.memory_space<vmem>>, %arg8: memref<6x128xi32, #tpu.memory_space<vmem>>, %arg9: memref<3x128x128xf32, #tpu.memory_space<vmem>>, %arg10: memref<3x!tpu.dma_semaphore, #tpu.memory_space<semaphore_mem>>, %arg11: memref<3x!tpu.dma_semaphore, #tpu.memory_space<semaphore_mem>>, %arg12: memref<3x!tpu.dma_semaphore, #tpu.memory_space<semaphore_mem>>, %arg13: memref<10000x128xf32, #tpu.memory_space<vmem_shared>>) attributes {dimension_semantics = [#tpu.dimension_semantics<core_parallel>, #tpu.dimension_semantics<subcore_parallel>], iteration_bounds = array<i64: 2, 16>, scalar_prefetch = 0 : i64, scratch_operands = 7 : i64, tpu.core_type = #tpu.core_type<sc_vector_subcore>, window_params = [{transform_indices = #map}, {transform_indices = #map1}, {transform_indices = #map1}, {transform_indices = #map}, {transform_indices = #map2}]} {
    %mul3A = arith.constant 16 : i32
    %mul3A_0 = arith.muli %arg0, %mul3A : i32
    %add3A = arith.addi %mul3A_0, %arg1 : i32
    %lt3A = arith.constant 4 : i32
    %lt3A_1 = arith.cmpi slt, %add3A, %lt3A : i32
    %jit3A = arith.constant 1 : i32
    %jit3A_2 = arith.constant 0 : i32
    %select_n3A = arith.select %lt3A_1, %jit3A, %jit3A_2 : i32
    %add3A_3 = arith.constant 78 : i32
    %add3A_4 = arith.addi %add3A_3, %select_n3A : i32
    %rem3A = arith.constant 0 : i32
    %rem3A_5 = arith.constant 3 : i32
    %rem3A_6 = arith.remsi %rem3A, %rem3A_5 : i32
    %rem3A_7 = arith.constant 0 : i32
    %rem3A_8 = arith.constant 6 : i32
    %rem3A_9 = arith.remsi %rem3A_7, %rem3A_8 : i32
    %add3A_10 = arith.constant 0 : i32
    %add3A_11 = arith.addi %add3A, %add3A_10 : i32
    %mul3A_12 = arith.constant 128 : i32
    %mul3A_13 = arith.muli %add3A_11, %mul3A_12 : i32
    %multiple_of3A = tpu.assume_multiple %mul3A_13, 8 : i32
    %dma_start3A = arith.constant 0 : i32
    %dma_start3A_14 = tpu.memref_slice %arg7[%rem3A_6, %dma_start3A] : memref<3x128xi32, #tpu.memory_space<vmem>> -> memref<1x128xi32, #tpu.memory_space<vmem>>
    %dma_start3A_15 = tpu.memref_squeeze %dma_start3A_14 : memref<1x128xi32, #tpu.memory_space<vmem>> -> memref<128xi32, #tpu.memory_space<vmem>>
    %dma_start3A_16 = tpu.memref_slice %arg3[%multiple_of3A] : memref<320000xi32, #tpu.memory_space<hbm>> -> memref<128xi32, #tpu.memory_space<hbm>>
    %dma_start3A_17 = tpu.memref_slice %arg10[%rem3A_6] : memref<3x!tpu.dma_semaphore, #tpu.memory_space<semaphore_mem>> -> memref<1x!tpu.dma_semaphore, #tpu.memory_space<semaphore_mem>>
    %dma_start3A_18 = tpu.memref_squeeze %dma_start3A_17 : memref<1x!tpu.dma_semaphore, #tpu.memory_space<semaphore_mem>> -> memref<!tpu.dma_semaphore, #tpu.memory_space<semaphore_mem>>
    %dma_start3A_19 = arith.constant 0 : i32
    %dma_start3A_20 = tpu.memref_slice %arg7[%rem3A_6, %dma_start3A_19] : memref<3x128xi32, #tpu.memory_space<vmem>> -> memref<1x128xi32, #tpu.memory_space<vmem>>
    %dma_start3A_21 = tpu.memref_squeeze %dma_start3A_20 : memref<1x128xi32, #tpu.memory_space<vmem>> -> memref<128xi32, #tpu.memory_space<vmem>>
    %dma_start3A_22 = tpu.memref_slice %arg3[%multiple_of3A] : memref<320000xi32, #tpu.memory_space<hbm>> -> memref<128xi32, #tpu.memory_space<hbm>>
    tpu.enqueue_dma source(%dma_start3A_22 : memref<128xi32, #tpu.memory_space<hbm>>) target(%dma_start3A_21 : memref<128xi32, #tpu.memory_space<vmem>>) target_semaphore(%dma_start3A_18 : memref<!tpu.dma_semaphore, #tpu.memory_space<semaphore_mem>>)
    %add3A_23 = arith.constant 0 : i32
    %add3A_24 = arith.addi %add3A, %add3A_23 : i32
    %mul3A_25 = arith.constant 128 : i32
    %mul3A_26 = arith.muli %add3A_24, %mul3A_25 : i32
    %multiple_of3A_27 = tpu.assume_multiple %mul3A_26, 8 : i32
    %dma_start3A_28 = arith.constant 0 : i32
    %dma_start3A_29 = tpu.memref_slice %arg8[%rem3A_9, %dma_start3A_28] : memref<6x128xi32, #tpu.memory_space<vmem>> -> memref<1x128xi32, #tpu.memory_space<vmem>>
    %dma_start3A_30 = tpu.memref_squeeze %dma_start3A_29 : memref<1x128xi32, #tpu.memory_space<vmem>> -> memref<128xi32, #tpu.memory_space<vmem>>
    %dma_start3A_31 = tpu.memref_slice %arg4[%multiple_of3A_27] : memref<320000xi32, #tpu.memory_space<hbm>> -> memref<128xi32, #tpu.memory_space<hbm>>
    %dma_start3A_32 = tpu.memref_slice %arg10[%rem3A_6] : memref<3x!tpu.dma_semaphore, #tpu.memory_space<semaphore_mem>> -> memref<1x!tpu.dma_semaphore, #tpu.memory_space<semaphore_mem>>
    %dma_start3A_33 = tpu.memref_squeeze %dma_start3A_32 : memref<1x!tpu.dma_semaphore, #tpu.memory_space<semaphore_mem>> -> memref<!tpu.dma_semaphore, #tpu.memory_space<semaphore_mem>>
    %dma_start3A_34 = arith.constant 0 : i32
    %dma_start3A_35 = tpu.memref_slice %arg8[%rem3A_9, %dma_start3A_34] : memref<6x128xi32, #tpu.memory_space<vmem>> -> memref<1x128xi32, #tpu.memory_space<vmem>>
    %dma_start3A_36 = tpu.memref_squeeze %dma_start3A_35 : memref<1x128xi32, #tpu.memory_space<vmem>> -> memref<128xi32, #tpu.memory_space<vmem>>
    %dma_start3A_37 = tpu.memref_slice %arg4[%multiple_of3A_27] : memref<320000xi32, #tpu.memory_space<hbm>> -> memref<128xi32, #tpu.memory_space<hbm>>
    tpu.enqueue_dma source(%dma_start3A_37 : memref<128xi32, #tpu.memory_space<hbm>>) target(%dma_start3A_36 : memref<128xi32, #tpu.memory_space<vmem>>) target_semaphore(%dma_start3A_33 : memref<!tpu.dma_semaphore, #tpu.memory_space<semaphore_mem>>)
    %rem3A_38 = arith.constant 1 : i32
    %rem3A_39 = arith.constant 3 : i32
    %rem3A_40 = arith.remsi %rem3A_38, %rem3A_39 : i32
    %rem3A_41 = arith.constant 1 : i32
    %rem3A_42 = arith.constant 6 : i32
    %rem3A_43 = arith.remsi %rem3A_41, %rem3A_42 : i32
    %add3A_44 = arith.constant 32 : i32
    %add3A_45 = arith.addi %add3A, %add3A_44 : i32
    %mul3A_46 = arith.constant 128 : i32
    %mul3A_47 = arith.muli %add3A_45, %mul3A_46 : i32
    %multiple_of3A_48 = tpu.assume_multiple %mul3A_47, 8 : i32
    %dma_start3A_49 = arith.constant 0 : i32
    %dma_start3A_50 = tpu.memref_slice %arg7[%rem3A_40, %dma_start3A_49] : memref<3x128xi32, #tpu.memory_space<vmem>> -> memref<1x128xi32, #tpu.memory_space<vmem>>
    %dma_start3A_51 = tpu.memref_squeeze %dma_start3A_50 : memref<1x128xi32, #tpu.memory_space<vmem>> -> memref<128xi32, #tpu.memory_space<vmem>>
    %dma_start3A_52 = tpu.memref_slice %arg3[%multiple_of3A_48] : memref<320000xi32, #tpu.memory_space<hbm>> -> memref<128xi32, #tpu.memory_space<hbm>>
    %dma_start3A_53 = tpu.memref_slice %arg10[%rem3A_40] : memref<3x!tpu.dma_semaphore, #tpu.memory_space<semaphore_mem>> -> memref<1x!tpu.dma_semaphore, #tpu.memory_space<semaphore_mem>>
    %dma_start3A_54 = tpu.memref_squeeze %dma_start3A_53 : memref<1x!tpu.dma_semaphore, #tpu.memory_space<semaphore_mem>> -> memref<!tpu.dma_semaphore, #tpu.memory_space<semaphore_mem>>
    %dma_start3A_55 = arith.constant 0 : i32
    %dma_start3A_56 = tpu.memref_slice %arg7[%rem3A_40, %dma_start3A_55] : memref<3x128xi32, #tpu.memory_space<vmem>> -> memref<1x128xi32, #tpu.memory_space<vmem>>
    %dma_start3A_57 = tpu.memref_squeeze %dma_start3A_56 : memref<1x128xi32, #tpu.memory_space<vmem>> -> memref<128xi32, #tpu.memory_space<vmem>>
    %dma_start3A_58 = tpu.memref_slice %arg3[%multiple_of3A_48] : memref<320000xi32, #tpu.memory_space<hbm>> -> memref<128xi32, #tpu.memory_space<hbm>>
    tpu.enqueue_dma source(%dma_start3A_58 : memref<128xi32, #tpu.memory_space<hbm>>) target(%dma_start3A_57 : memref<128xi32, #tpu.memory_space<vmem>>) target_semaphore(%dma_start3A_54 : memref<!tpu.dma_semaphore, #tpu.memory_space<semaphore_mem>>)
    %add3A_59 = arith.constant 32 : i32
    %add3A_60 = arith.addi %add3A, %add3A_59 : i32
    %mul3A_61 = arith.constant 128 : i32
    %mul3A_62 = arith.muli %add3A_60, %mul3A_61 : i32
    %multiple_of3A_63 = tpu.assume_multiple %mul3A_62, 8 : i32
    %dma_start3A_64 = arith.constant 0 : i32
    %dma_start3A_65 = tpu.memref_slice %arg8[%rem3A_43, %dma_start3A_64] : memref<6x128xi32, #tpu.memory_space<vmem>> -> memref<1x128xi32, #tpu.memory_space<vmem>>
    %dma_start3A_66 = tpu.memref_squeeze %dma_start3A_65 : memref<1x128xi32, #tpu.memory_space<vmem>> -> memref<128xi32, #tpu.memory_space<vmem>>
    %dma_start3A_67 = tpu.memref_slice %arg4[%multiple_of3A_63] : memref<320000xi32, #tpu.memory_space<hbm>> -> memref<128xi32, #tpu.memory_space<hbm>>
    %dma_start3A_68 = tpu.memref_slice %arg10[%rem3A_40] : memref<3x!tpu.dma_semaphore, #tpu.memory_space<semaphore_mem>> -> memref<1x!tpu.dma_semaphore, #tpu.memory_space<semaphore_mem>>
    %dma_start3A_69 = tpu.memref_squeeze %dma_start3A_68 : memref<1x!tpu.dma_semaphore, #tpu.memory_space<semaphore_mem>> -> memref<!tpu.dma_semaphore, #tpu.memory_space<semaphore_mem>>
    %dma_start3A_70 = arith.constant 0 : i32
    %dma_start3A_71 = tpu.memref_slice %arg8[%rem3A_43, %dma_start3A_70] : memref<6x128xi32, #tpu.memory_space<vmem>> -> memref<1x128xi32, #tpu.memory_space<vmem>>
    %dma_start3A_72 = tpu.memref_squeeze %dma_start3A_71 : memref<1x128xi32, #tpu.memory_space<vmem>> -> memref<128xi32, #tpu.memory_space<vmem>>
    %dma_start3A_73 = tpu.memref_slice %arg4[%multiple_of3A_63] : memref<320000xi32, #tpu.memory_space<hbm>> -> memref<128xi32, #tpu.memory_space<hbm>>
    tpu.enqueue_dma source(%dma_start3A_73 : memref<128xi32, #tpu.memory_space<hbm>>) target(%dma_start3A_72 : memref<128xi32, #tpu.memory_space<vmem>>) target_semaphore(%dma_start3A_69 : memref<!tpu.dma_semaphore, #tpu.memory_space<semaphore_mem>>)
    %rem3A_74 = arith.constant 2 : i32
    %rem3A_75 = arith.constant 3 : i32
    %rem3A_76 = arith.remsi %rem3A_74, %rem3A_75 : i32
    %rem3A_77 = arith.constant 2 : i32
    %rem3A_78 = arith.constant 6 : i32
    %rem3A_79 = arith.remsi %rem3A_77, %rem3A_78 : i32
    %add3A_80 = arith.constant 64 : i32
    %add3A_81 = arith.addi %add3A, %add3A_80 : i32
    %mul3A_82 = arith.constant 128 : i32
    %mul3A_83 = arith.muli %add3A_81, %mul3A_82 : i32
    %multiple_of3A_84 = tpu.assume_multiple %mul3A_83, 8 : i32
    %dma_start3A_85 = arith.constant 0 : i32
    %dma_start3A_86 = tpu.memref_slice %arg7[%rem3A_76, %dma_start3A_85] : memref<3x128xi32, #tpu.memory_space<vmem>> -> memref<1x128xi32, #tpu.memory_space<vmem>>
    %dma_start3A_87 = tpu.memref_squeeze %dma_start3A_86 : memref<1x128xi32, #tpu.memory_space<vmem>> -> memref<128xi32, #tpu.memory_space<vmem>>
    %dma_start3A_88 = tpu.memref_slice %arg3[%multiple_of3A_84] : memref<320000xi32, #tpu.memory_space<hbm>> -> memref<128xi32, #tpu.memory_space<hbm>>
    %dma_start3A_89 = tpu.memref_slice %arg10[%rem3A_76] : memref<3x!tpu.dma_semaphore, #tpu.memory_space<semaphore_mem>> -> memref<1x!tpu.dma_semaphore, #tpu.memory_space<semaphore_mem>>
    %dma_start3A_90 = tpu.memref_squeeze %dma_start3A_89 : memref<1x!tpu.dma_semaphore, #tpu.memory_space<semaphore_mem>> -> memref<!tpu.dma_semaphore, #tpu.memory_space<semaphore_mem>>
    %dma_start3A_91 = arith.constant 0 : i32
    %dma_start3A_92 = tpu.memref_slice %arg7[%rem3A_76, %dma_start3A_91] : memref<3x128xi32, #tpu.memory_space<vmem>> -> memref<1x128xi32, #tpu.memory_space<vmem>>
    %dma_start3A_93 = tpu.memref_squeeze %dma_start3A_92 : memref<1x128xi32, #tpu.memory_space<vmem>> -> memref<128xi32, #tpu.memory_space<vmem>>
    %dma_start3A_94 = tpu.memref_slice %arg3[%multiple_of3A_84] : memref<320000xi32, #tpu.memory_space<hbm>> -> memref<128xi32, #tpu.memory_space<hbm>>
    tpu.enqueue_dma source(%dma_start3A_94 : memref<128xi32, #tpu.memory_space<hbm>>) target(%dma_start3A_93 : memref<128xi32, #tpu.memory_space<vmem>>) target_semaphore(%dma_start3A_90 : memref<!tpu.dma_semaphore, #tpu.memory_space<semaphore_mem>>)
    %add3A_95 = arith.constant 64 : i32
    %add3A_96 = arith.addi %add3A, %add3A_95 : i32
    %mul3A_97 = arith.constant 128 : i32
    %mul3A_98 = arith.muli %add3A_96, %mul3A_97 : i32
    %multiple_of3A_99 = tpu.assume_multiple %mul3A_98, 8 : i32
    %dma_start3A_100 = arith.constant 0 : i32
    %dma_start3A_101 = tpu.memref_slice %arg8[%rem3A_79, %dma_start3A_100] : memref<6x128xi32, #tpu.memory_space<vmem>> -> memref<1x128xi32, #tpu.memory_space<vmem>>
    %dma_start3A_102 = tpu.memref_squeeze %dma_start3A_101 : memref<1x128xi32, #tpu.memory_space<vmem>> -> memref<128xi32, #tpu.memory_space<vmem>>
    %dma_start3A_103 = tpu.memref_slice %arg4[%multiple_of3A_99] : memref<320000xi32, #tpu.memory_space<hbm>> -> memref<128xi32, #tpu.memory_space<hbm>>
    %dma_start3A_104 = tpu.memref_slice %arg10[%rem3A_76] : memref<3x!tpu.dma_semaphore, #tpu.memory_space<semaphore_mem>> -> memref<1x!tpu.dma_semaphore, #tpu.memory_space<semaphore_mem>>
    %dma_start3A_105 = tpu.memref_squeeze %dma_start3A_104 : memref<1x!tpu.dma_semaphore, #tpu.memory_space<semaphore_mem>> -> memref<!tpu.dma_semaphore, #tpu.memory_space<semaphore_mem>>
    %dma_start3A_106 = arith.constant 0 : i32
    %dma_start3A_107 = tpu.memref_slice %arg8[%rem3A_79, %dma_start3A_106] : memref<6x128xi32, #tpu.memory_space<vmem>> -> memref<1x128xi32, #tpu.memory_space<vmem>>
    %dma_start3A_108 = tpu.memref_squeeze %dma_start3A_107 : memref<1x128xi32, #tpu.memory_space<vmem>> -> memref<128xi32, #tpu.memory_space<vmem>>
    %dma_start3A_109 = tpu.memref_slice %arg4[%multiple_of3A_99] : memref<320000xi32, #tpu.memory_space<hbm>> -> memref<128xi32, #tpu.memory_space<hbm>>
    tpu.enqueue_dma source(%dma_start3A_109 : memref<128xi32, #tpu.memory_space<hbm>>) target(%dma_start3A_108 : memref<128xi32, #tpu.memory_space<vmem>>) target_semaphore(%dma_start3A_105 : memref<!tpu.dma_semaphore, #tpu.memory_space<semaphore_mem>>)
    %rem3A_110 = arith.constant 0 : i32
    %rem3A_111 = arith.constant 3 : i32
    %rem3A_112 = arith.remsi %rem3A_110, %rem3A_111 : i32
    %rem3A_113 = arith.constant 0 : i32
    %rem3A_114 = arith.constant 6 : i32
    %rem3A_115 = arith.remsi %rem3A_113, %rem3A_114 : i32
    %add3A_116 = arith.constant 0 : i32
    %add3A_117 = arith.addi %add3A, %add3A_116 : i32
    %mul3A_118 = arith.constant 128 : i32
    %mul3A_119 = arith.muli %add3A_117, %mul3A_118 : i32
    %multiple_of3A_120 = tpu.assume_multiple %mul3A_119, 8 : i32
    %dma_wait3A = arith.constant 0 : i32
    %dma_wait3A_121 = tpu.memref_slice %arg7[%rem3A_112, %dma_wait3A] : memref<3x128xi32, #tpu.memory_space<vmem>> -> memref<1x128xi32, #tpu.memory_space<vmem>>
    %dma_wait3A_122 = tpu.memref_squeeze %dma_wait3A_121 : memref<1x128xi32, #tpu.memory_space<vmem>> -> memref<128xi32, #tpu.memory_space<vmem>>
    %dma_wait3A_123 = tpu.memref_slice %arg3[%multiple_of3A_120] : memref<320000xi32, #tpu.memory_space<hbm>> -> memref<128xi32, #tpu.memory_space<hbm>>
    %dma_wait3A_124 = tpu.memref_slice %arg10[%rem3A_112] : memref<3x!tpu.dma_semaphore, #tpu.memory_space<semaphore_mem>> -> memref<1x!tpu.dma_semaphore, #tpu.memory_space<semaphore_mem>>
    %dma_wait3A_125 = tpu.memref_squeeze %dma_wait3A_124 : memref<1x!tpu.dma_semaphore, #tpu.memory_space<semaphore_mem>> -> memref<!tpu.dma_semaphore, #tpu.memory_space<semaphore_mem>>
    %dma_wait3A_126 = arith.constant 0 : i32
    %dma_wait3A_127 = tpu.memref_slice %arg7[%rem3A_112, %dma_wait3A_126] : memref<3x128xi32, #tpu.memory_space<vmem>> -> memref<1x128xi32, #tpu.memory_space<vmem>>
    %dma_wait3A_128 = tpu.memref_squeeze %dma_wait3A_127 : memref<1x128xi32, #tpu.memory_space<vmem>> -> memref<128xi32, #tpu.memory_space<vmem>>
    %dma_wait3A_129 = tpu.memref_slice %arg3[%multiple_of3A_120] : memref<320000xi32, #tpu.memory_space<hbm>> -> memref<128xi32, #tpu.memory_space<hbm>>
    tpu.wait_dma2 semaphore(%dma_wait3A_125 : memref<!tpu.dma_semaphore, #tpu.memory_space<semaphore_mem>>) src(%dma_wait3A_129 : memref<128xi32, #tpu.memory_space<hbm>>) dst(%dma_wait3A_128 : memref<128xi32, #tpu.memory_space<vmem>>)
    %add3A_130 = arith.constant 0 : i32
    %add3A_131 = arith.addi %add3A, %add3A_130 : i32
    %mul3A_132 = arith.constant 128 : i32
    %mul3A_133 = arith.muli %add3A_131, %mul3A_132 : i32
    %multiple_of3A_134 = tpu.assume_multiple %mul3A_133, 8 : i32
    %dma_wait3A_135 = arith.constant 0 : i32
    %dma_wait3A_136 = tpu.memref_slice %arg8[%rem3A_115, %dma_wait3A_135] : memref<6x128xi32, #tpu.memory_space<vmem>> -> memref<1x128xi32, #tpu.memory_space<vmem>>
    %dma_wait3A_137 = tpu.memref_squeeze %dma_wait3A_136 : memref<1x128xi32, #tpu.memory_space<vmem>> -> memref<128xi32, #tpu.memory_space<vmem>>
    %dma_wait3A_138 = tpu.memref_slice %arg4[%multiple_of3A_134] : memref<320000xi32, #tpu.memory_space<hbm>> -> memref<128xi32, #tpu.memory_space<hbm>>
    %dma_wait3A_139 = tpu.memref_slice %arg10[%rem3A_112] : memref<3x!tpu.dma_semaphore, #tpu.memory_space<semaphore_mem>> -> memref<1x!tpu.dma_semaphore, #tpu.memory_space<semaphore_mem>>
    %dma_wait3A_140 = tpu.memref_squeeze %dma_wait3A_139 : memref<1x!tpu.dma_semaphore, #tpu.memory_space<semaphore_mem>> -> memref<!tpu.dma_semaphore, #tpu.memory_space<semaphore_mem>>
    %dma_wait3A_141 = arith.constant 0 : i32
    %dma_wait3A_142 = tpu.memref_slice %arg8[%rem3A_115, %dma_wait3A_141] : memref<6x128xi32, #tpu.memory_space<vmem>> -> memref<1x128xi32, #tpu.memory_space<vmem>>
    %dma_wait3A_143 = tpu.memref_squeeze %dma_wait3A_142 : memref<1x128xi32, #tpu.memory_space<vmem>> -> memref<128xi32, #tpu.memory_space<vmem>>
    %dma_wait3A_144 = tpu.memref_slice %arg4[%multiple_of3A_134] : memref<320000xi32, #tpu.memory_space<hbm>> -> memref<128xi32, #tpu.memory_space<hbm>>
    tpu.wait_dma2 semaphore(%dma_wait3A_140 : memref<!tpu.dma_semaphore, #tpu.memory_space<semaphore_mem>>) src(%dma_wait3A_144 : memref<128xi32, #tpu.memory_space<hbm>>) dst(%dma_wait3A_143 : memref<128xi32, #tpu.memory_space<vmem>>)
    %rem3A_145 = arith.constant 0 : i32
    %rem3A_146 = arith.constant 3 : i32
    %rem3A_147 = arith.remsi %rem3A_145, %rem3A_146 : i32
    %dma_start3A_148 = arith.constant 0 : i32
    %dma_start3A_149 = arith.constant 0 : i32
    %dma_start3A_150 = tpu.memref_slice %arg9[%rem3A_147, %dma_start3A_148, %dma_start3A_149] : memref<3x128x128xf32, #tpu.memory_space<vmem>> -> memref<1x128x128xf32, #tpu.memory_space<vmem>>
    %dma_start3A_151 = tpu.memref_squeeze %dma_start3A_150 : memref<1x128x128xf32, #tpu.memory_space<vmem>> -> memref<128x128xf32, #tpu.memory_space<vmem>>
    %dma_start3A_152 = arith.constant 0 : i32
    %dma_start3A_153 = tpu.memref_slice %arg7[%rem3A_147, %dma_start3A_152] : memref<3x128xi32, #tpu.memory_space<vmem>> -> memref<1x128xi32, #tpu.memory_space<vmem>>
    %dma_start3A_154 = tpu.memref_squeeze %dma_start3A_153 : memref<1x128xi32, #tpu.memory_space<vmem>> -> memref<128xi32, #tpu.memory_space<vmem>>
    %dma_start3A_155 = arith.constant 0 : i32
    %dma_start3A_156 = arith.constant 0 : i32
    %dma_start3A_157 = tpu.memref_slice %arg2[%dma_start3A_155, %dma_start3A_156] : memref<40000x128xf32, #tpu.memory_space<hbm>> -> memref<40000x128xf32, #tpu.memory_space<hbm>>
    %dma_start3A_158 = tpu.memref_slice %arg11[%rem3A_147] : memref<3x!tpu.dma_semaphore, #tpu.memory_space<semaphore_mem>> -> memref<1x!tpu.dma_semaphore, #tpu.memory_space<semaphore_mem>>
    %dma_start3A_159 = tpu.memref_squeeze %dma_start3A_158 : memref<1x!tpu.dma_semaphore, #tpu.memory_space<semaphore_mem>> -> memref<!tpu.dma_semaphore, #tpu.memory_space<semaphore_mem>>
    tpu.enqueue_indirect_dma source(%dma_start3A_157 : memref<40000x128xf32, #tpu.memory_space<hbm>>) target(%dma_start3A_151 : memref<128x128xf32, #tpu.memory_space<vmem>>) offsets(%dma_start3A_154 : memref<128xi32, #tpu.memory_space<vmem>>) semaphore(%dma_start3A_159 : memref<!tpu.dma_semaphore, #tpu.memory_space<semaphore_mem>>)
    %rem3A_160 = arith.constant 1 : i32
    %rem3A_161 = arith.constant 3 : i32
    %rem3A_162 = arith.remsi %rem3A_160, %rem3A_161 : i32
    %rem3A_163 = arith.constant 1 : i32
    %rem3A_164 = arith.constant 6 : i32
    %rem3A_165 = arith.remsi %rem3A_163, %rem3A_164 : i32
    %add3A_166 = arith.constant 32 : i32
    %add3A_167 = arith.addi %add3A, %add3A_166 : i32
    %mul3A_168 = arith.constant 128 : i32
    %mul3A_169 = arith.muli %add3A_167, %mul3A_168 : i32
    %multiple_of3A_170 = tpu.assume_multiple %mul3A_169, 8 : i32
    %dma_wait3A_171 = arith.constant 0 : i32
    %dma_wait3A_172 = tpu.memref_slice %arg7[%rem3A_162, %dma_wait3A_171] : memref<3x128xi32, #tpu.memory_space<vmem>> -> memref<1x128xi32, #tpu.memory_space<vmem>>
    %dma_wait3A_173 = tpu.memref_squeeze %dma_wait3A_172 : memref<1x128xi32, #tpu.memory_space<vmem>> -> memref<128xi32, #tpu.memory_space<vmem>>
    %dma_wait3A_174 = tpu.memref_slice %arg3[%multiple_of3A_170] : memref<320000xi32, #tpu.memory_space<hbm>> -> memref<128xi32, #tpu.memory_space<hbm>>
    %dma_wait3A_175 = tpu.memref_slice %arg10[%rem3A_162] : memref<3x!tpu.dma_semaphore, #tpu.memory_space<semaphore_mem>> -> memref<1x!tpu.dma_semaphore, #tpu.memory_space<semaphore_mem>>
    %dma_wait3A_176 = tpu.memref_squeeze %dma_wait3A_175 : memref<1x!tpu.dma_semaphore, #tpu.memory_space<semaphore_mem>> -> memref<!tpu.dma_semaphore, #tpu.memory_space<semaphore_mem>>
    %dma_wait3A_177 = arith.constant 0 : i32
    %dma_wait3A_178 = tpu.memref_slice %arg7[%rem3A_162, %dma_wait3A_177] : memref<3x128xi32, #tpu.memory_space<vmem>> -> memref<1x128xi32, #tpu.memory_space<vmem>>
    %dma_wait3A_179 = tpu.memref_squeeze %dma_wait3A_178 : memref<1x128xi32, #tpu.memory_space<vmem>> -> memref<128xi32, #tpu.memory_space<vmem>>
    %dma_wait3A_180 = tpu.memref_slice %arg3[%multiple_of3A_170] : memref<320000xi32, #tpu.memory_space<hbm>> -> memref<128xi32, #tpu.memory_space<hbm>>
    tpu.wait_dma2 semaphore(%dma_wait3A_176 : memref<!tpu.dma_semaphore, #tpu.memory_space<semaphore_mem>>) src(%dma_wait3A_180 : memref<128xi32, #tpu.memory_space<hbm>>) dst(%dma_wait3A_179 : memref<128xi32, #tpu.memory_space<vmem>>)
    %add3A_181 = arith.constant 32 : i32
    %add3A_182 = arith.addi %add3A, %add3A_181 : i32
    %mul3A_183 = arith.constant 128 : i32
    %mul3A_184 = arith.muli %add3A_182, %mul3A_183 : i32
    %multiple_of3A_185 = tpu.assume_multiple %mul3A_184, 8 : i32
    %dma_wait3A_186 = arith.constant 0 : i32
    %dma_wait3A_187 = tpu.memref_slice %arg8[%rem3A_165, %dma_wait3A_186] : memref<6x128xi32, #tpu.memory_space<vmem>> -> memref<1x128xi32, #tpu.memory_space<vmem>>
    %dma_wait3A_188 = tpu.memref_squeeze %dma_wait3A_187 : memref<1x128xi32, #tpu.memory_space<vmem>> -> memref<128xi32, #tpu.memory_space<vmem>>
    %dma_wait3A_189 = tpu.memref_slice %arg4[%multiple_of3A_185] : memref<320000xi32, #tpu.memory_space<hbm>> -> memref<128xi32, #tpu.memory_space<hbm>>
    %dma_wait3A_190 = tpu.memref_slice %arg10[%rem3A_162] : memref<3x!tpu.dma_semaphore, #tpu.memory_space<semaphore_mem>> -> memref<1x!tpu.dma_semaphore, #tpu.memory_space<semaphore_mem>>
    %dma_wait3A_191 = tpu.memref_squeeze %dma_wait3A_190 : memref<1x!tpu.dma_semaphore, #tpu.memory_space<semaphore_mem>> -> memref<!tpu.dma_semaphore, #tpu.memory_space<semaphore_mem>>
    %dma_wait3A_192 = arith.constant 0 : i32
    %dma_wait3A_193 = tpu.memref_slice %arg8[%rem3A_165, %dma_wait3A_192] : memref<6x128xi32, #tpu.memory_space<vmem>> -> memref<1x128xi32, #tpu.memory_space<vmem>>
    %dma_wait3A_194 = tpu.memref_squeeze %dma_wait3A_193 : memref<1x128xi32, #tpu.memory_space<vmem>> -> memref<128xi32, #tpu.memory_space<vmem>>
    %dma_wait3A_195 = tpu.memref_slice %arg4[%multiple_of3A_185] : memref<320000xi32, #tpu.memory_space<hbm>> -> memref<128xi32, #tpu.memory_space<hbm>>
    tpu.wait_dma2 semaphore(%dma_wait3A_191 : memref<!tpu.dma_semaphore, #tpu.memory_space<semaphore_mem>>) src(%dma_wait3A_195 : memref<128xi32, #tpu.memory_space<hbm>>) dst(%dma_wait3A_194 : memref<128xi32, #tpu.memory_space<vmem>>)
    %rem3A_196 = arith.constant 1 : i32
    %rem3A_197 = arith.constant 3 : i32
    %rem3A_198 = arith.remsi %rem3A_196, %rem3A_197 : i32
    %dma_start3A_199 = arith.constant 0 : i32
    %dma_start3A_200 = arith.constant 0 : i32
    %dma_start3A_201 = tpu.memref_slice %arg9[%rem3A_198, %dma_start3A_199, %dma_start3A_200] : memref<3x128x128xf32, #tpu.memory_space<vmem>> -> memref<1x128x128xf32, #tpu.memory_space<vmem>>
    %dma_start3A_202 = tpu.memref_squeeze %dma_start3A_201 : memref<1x128x128xf32, #tpu.memory_space<vmem>> -> memref<128x128xf32, #tpu.memory_space<vmem>>
    %dma_start3A_203 = arith.constant 0 : i32
    %dma_start3A_204 = tpu.memref_slice %arg7[%rem3A_198, %dma_start3A_203] : memref<3x128xi32, #tpu.memory_space<vmem>> -> memref<1x128xi32, #tpu.memory_space<vmem>>
    %dma_start3A_205 = tpu.memref_squeeze %dma_start3A_204 : memref<1x128xi32, #tpu.memory_space<vmem>> -> memref<128xi32, #tpu.memory_space<vmem>>
    %dma_start3A_206 = arith.constant 0 : i32
    %dma_start3A_207 = arith.constant 0 : i32
    %dma_start3A_208 = tpu.memref_slice %arg2[%dma_start3A_206, %dma_start3A_207] : memref<40000x128xf32, #tpu.memory_space<hbm>> -> memref<40000x128xf32, #tpu.memory_space<hbm>>
    %dma_start3A_209 = tpu.memref_slice %arg11[%rem3A_198] : memref<3x!tpu.dma_semaphore, #tpu.memory_space<semaphore_mem>> -> memref<1x!tpu.dma_semaphore, #tpu.memory_space<semaphore_mem>>
    %dma_start3A_210 = tpu.memref_squeeze %dma_start3A_209 : memref<1x!tpu.dma_semaphore, #tpu.memory_space<semaphore_mem>> -> memref<!tpu.dma_semaphore, #tpu.memory_space<semaphore_mem>>
    tpu.enqueue_indirect_dma source(%dma_start3A_208 : memref<40000x128xf32, #tpu.memory_space<hbm>>) target(%dma_start3A_202 : memref<128x128xf32, #tpu.memory_space<vmem>>) offsets(%dma_start3A_205 : memref<128xi32, #tpu.memory_space<vmem>>) semaphore(%dma_start3A_210 : memref<!tpu.dma_semaphore, #tpu.memory_space<semaphore_mem>>)
    %lt3A_211 = arith.constant 15 : i32
    %lt3A_212 = arith.cmpi slt, %arg1, %lt3A_211 : i32
    %convert_element_type3A = arith.extui %lt3A_212 : i1 to i32
    %cond3A = arith.constant 0 : i32
    %cond3A_213 = arith.cmpi ne, %convert_element_type3A, %cond3A : i32
    scf.if %cond3A_213 {
      %mul3A_255 = arith.constant 632 : i32
      %mul3A_256 = arith.muli %arg1, %mul3A_255 : i32
      "tpu.region"() ({
        %run_scoped3A = tpu.sem_alloc : memref<!tpu.dma_semaphore, #tpu.memory_space<semaphore_mem>>
        %dma_start3A_257 = arith.constant 0 : i32
        %dma_start3A_258 = tpu.memref_slice %arg13[%mul3A_256, %dma_start3A_257] : memref<10000x128xf32, #tpu.memory_space<vmem_shared>> -> memref<632x128xf32, #tpu.memory_space<vmem_shared>>
        %dma_start3A_259 = arith.constant 0 : i32
        %dma_start3A_260 = arith.constant 0 : i32
        %dma_start3A_261 = tpu.memref_slice %arg5[%dma_start3A_259, %dma_start3A_260] : memref<640x128xf32, #tpu.memory_space<hbm>> -> memref<632x128xf32, #tpu.memory_space<hbm>>
        tpu.enqueue_dma source(%dma_start3A_261 : memref<632x128xf32, #tpu.memory_space<hbm>>) target(%dma_start3A_258 : memref<632x128xf32, #tpu.memory_space<vmem_shared>>) target_semaphore(%run_scoped3A : memref<!tpu.dma_semaphore, #tpu.memory_space<semaphore_mem>>)
        %dma_wait3A_262 = arith.constant 0 : i32
        %dma_wait3A_263 = tpu.memref_slice %arg13[%mul3A_256, %dma_wait3A_262] : memref<10000x128xf32, #tpu.memory_space<vmem_shared>> -> memref<632x128xf32, #tpu.memory_space<vmem_shared>>
        %dma_wait3A_264 = arith.constant 0 : i32
        %dma_wait3A_265 = arith.constant 0 : i32
        %dma_wait3A_266 = tpu.memref_slice %arg5[%dma_wait3A_264, %dma_wait3A_265] : memref<640x128xf32, #tpu.memory_space<hbm>> -> memref<632x128xf32, #tpu.memory_space<hbm>>
        tpu.wait_dma2 semaphore(%run_scoped3A : memref<!tpu.dma_semaphore, #tpu.memory_space<semaphore_mem>>) src(%dma_wait3A_266 : memref<632x128xf32, #tpu.memory_space<hbm>>) dst(%dma_wait3A_263 : memref<632x128xf32, #tpu.memory_space<vmem_shared>>)
        tpu.yield
      }) : () -> ()
    } else {
    }
    %eq3A = arith.constant 15 : i32
    %eq3A_214 = arith.cmpi eq, %arg1, %eq3A : i32
    %convert_element_type3A_215 = arith.extui %eq3A_214 : i1 to i32
    %cond3A_216 = arith.constant 0 : i32
    %cond3A_217 = arith.cmpi ne, %convert_element_type3A_215, %cond3A_216 : i32
    scf.if %cond3A_217 {
      "tpu.region"() ({
        %run_scoped3A = tpu.sem_alloc : memref<!tpu.dma_semaphore, #tpu.memory_space<semaphore_mem>>
        %dma_start3A_255 = arith.constant 9480 : i32
        %dma_start3A_256 = arith.constant 0 : i32
        %dma_start3A_257 = tpu.memref_slice %arg13[%dma_start3A_255, %dma_start3A_256] : memref<10000x128xf32, #tpu.memory_space<vmem_shared>> -> memref<520x128xf32, #tpu.memory_space<vmem_shared>>
        %dma_start3A_258 = arith.constant 0 : i32
        %dma_start3A_259 = arith.constant 0 : i32
        %dma_start3A_260 = tpu.memref_slice %arg5[%dma_start3A_258, %dma_start3A_259] : memref<640x128xf32, #tpu.memory_space<hbm>> -> memref<520x128xf32, #tpu.memory_space<hbm>>
        tpu.enqueue_dma source(%dma_start3A_260 : memref<520x128xf32, #tpu.memory_space<hbm>>) target(%dma_start3A_257 : memref<520x128xf32, #tpu.memory_space<vmem_shared>>) target_semaphore(%run_scoped3A : memref<!tpu.dma_semaphore, #tpu.memory_space<semaphore_mem>>)
        %dma_wait3A_261 = arith.constant 9480 : i32
        %dma_wait3A_262 = arith.constant 0 : i32
        %dma_wait3A_263 = tpu.memref_slice %arg13[%dma_wait3A_261, %dma_wait3A_262] : memref<10000x128xf32, #tpu.memory_space<vmem_shared>> -> memref<520x128xf32, #tpu.memory_space<vmem_shared>>
        %dma_wait3A_264 = arith.constant 0 : i32
        %dma_wait3A_265 = arith.constant 0 : i32
        %dma_wait3A_266 = tpu.memref_slice %arg5[%dma_wait3A_264, %dma_wait3A_265] : memref<640x128xf32, #tpu.memory_space<hbm>> -> memref<520x128xf32, #tpu.memory_space<hbm>>
        tpu.wait_dma2 semaphore(%run_scoped3A : memref<!tpu.dma_semaphore, #tpu.memory_space<semaphore_mem>>) src(%dma_wait3A_266 : memref<520x128xf32, #tpu.memory_space<hbm>>) dst(%dma_wait3A_263 : memref<520x128xf32, #tpu.memory_space<vmem_shared>>)
        tpu.yield
      }) : () -> ()
    } else {
    }
    %barrier3A = arith.constant 0 : index
    tpu.barrier barrier_id(%barrier3A)
    %while3A = arith.constant 0 : i32
    %while3A_218 = arith.constant 0 : i32
    %while3A_219 = arith.subi %add3A_4, %while3A_218 : i32
    %while3A_220 = arith.addi %while3A_218, %while3A_219 : i32
    %while3A_221 = arith.constant 1 : i32
    %while3A_222 = arith.divsi %while3A_219, %while3A_221 : i32
    %while3A_223 = arith.muli %while3A_222, %while3A_221 : i32
    %while3A_224 = arith.addi %while3A_218, %while3A_223 : i32
    %while3A_225 = arith.constant 1 : i32
    scf.for %while3A_255 = %while3A_218 to %while3A_224 step %while3A_225  : i32 {
      %rem3A_256 = arith.constant 3 : i32
      %rem3A_257 = arith.remsi %while3A_255, %rem3A_256 : i32
      %dma_wait3A_258 = arith.constant 0 : i32
      %dma_wait3A_259 = arith.constant 0 : i32
      %dma_wait3A_260 = tpu.memref_slice %arg9[%rem3A_257, %dma_wait3A_258, %dma_wait3A_259] : memref<3x128x128xf32, #tpu.memory_space<vmem>> -> memref<1x128x128xf32, #tpu.memory_space<vmem>>
      %dma_wait3A_261 = tpu.memref_squeeze %dma_wait3A_260 : memref<1x128x128xf32, #tpu.memory_space<vmem>> -> memref<128x128xf32, #tpu.memory_space<vmem>>
      %dma_wait3A_262 = arith.constant 0 : i32
      %dma_wait3A_263 = tpu.memref_slice %arg7[%rem3A_257, %dma_wait3A_262] : memref<3x128xi32, #tpu.memory_space<vmem>> -> memref<1x128xi32, #tpu.memory_space<vmem>>
      %dma_wait3A_264 = tpu.memref_squeeze %dma_wait3A_263 : memref<1x128xi32, #tpu.memory_space<vmem>> -> memref<128xi32, #tpu.memory_space<vmem>>
      %dma_wait3A_265 = arith.constant 0 : i32
      %dma_wait3A_266 = arith.constant 0 : i32
      %dma_wait3A_267 = tpu.memref_slice %arg2[%dma_wait3A_265, %dma_wait3A_266] : memref<40000x128xf32, #tpu.memory_space<hbm>> -> memref<40000x128xf32, #tpu.memory_space<hbm>>
      %dma_wait3A_268 = tpu.memref_slice %arg11[%rem3A_257] : memref<3x!tpu.dma_semaphore, #tpu.memory_space<semaphore_mem>> -> memref<1x!tpu.dma_semaphore, #tpu.memory_space<semaphore_mem>>
      %dma_wait3A_269 = tpu.memref_squeeze %dma_wait3A_268 : memref<1x!tpu.dma_semaphore, #tpu.memory_space<semaphore_mem>> -> memref<!tpu.dma_semaphore, #tpu.memory_space<semaphore_mem>>
      tpu.wait_indirect_dma semaphore(%dma_wait3A_269 : memref<!tpu.dma_semaphore, #tpu.memory_space<semaphore_mem>>) src(%dma_wait3A_267 : memref<40000x128xf32, #tpu.memory_space<hbm>>) dst(%dma_wait3A_261 : memref<128x128xf32, #tpu.memory_space<vmem>>)
      %ge3A = arith.constant 1 : i32
      %ge3A_270 = arith.cmpi sge, %while3A_255, %ge3A : i32
      %convert_element_type3A_271 = arith.extui %ge3A_270 : i1 to i32
      %cond3A_272 = arith.constant 0 : i32
      %cond3A_273 = arith.cmpi ne, %convert_element_type3A_271, %cond3A_272 : i32
      scf.if %cond3A_273 {
        %sub3A_302 = arith.constant 1 : i32
        %sub3A_303 = arith.subi %while3A_255, %sub3A_302 : i32
        %rem3A_304 = arith.constant 3 : i32
        %rem3A_305 = arith.remsi %sub3A_303, %rem3A_304 : i32
        %rem3A_306 = arith.constant 6 : i32
        %rem3A_307 = arith.remsi %sub3A_303, %rem3A_306 : i32
        %dma_wait3A_308 = arith.constant 0 : i32
        %dma_wait3A_309 = arith.constant 0 : i32
        %dma_wait3A_310 = tpu.memref_slice %arg9[%rem3A_305, %dma_wait3A_308, %dma_wait3A_309] : memref<3x128x128xf32, #tpu.memory_space<vmem>> -> memref<1x128x128xf32, #tpu.memory_space<vmem>>
        %dma_wait3A_311 = tpu.memref_squeeze %dma_wait3A_310 : memref<1x128x128xf32, #tpu.memory_space<vmem>> -> memref<128x128xf32, #tpu.memory_space<vmem>>
        %dma_wait3A_312 = arith.constant 0 : i32
        %dma_wait3A_313 = tpu.memref_slice %arg8[%rem3A_307, %dma_wait3A_312] : memref<6x128xi32, #tpu.memory_space<vmem>> -> memref<1x128xi32, #tpu.memory_space<vmem>>
        %dma_wait3A_314 = tpu.memref_squeeze %dma_wait3A_313 : memref<1x128xi32, #tpu.memory_space<vmem>> -> memref<128xi32, #tpu.memory_space<vmem>>
        %dma_wait3A_315 = arith.constant 0 : i32
        %dma_wait3A_316 = arith.constant 0 : i32
        %dma_wait3A_317 = tpu.memref_slice %arg13[%dma_wait3A_315, %dma_wait3A_316] : memref<10000x128xf32, #tpu.memory_space<vmem_shared>> -> memref<10000x128xf32, #tpu.memory_space<vmem_shared>>
        %dma_wait3A_318 = tpu.memref_slice %arg12[%rem3A_305] : memref<3x!tpu.dma_semaphore, #tpu.memory_space<semaphore_mem>> -> memref<1x!tpu.dma_semaphore, #tpu.memory_space<semaphore_mem>>
        %dma_wait3A_319 = tpu.memref_squeeze %dma_wait3A_318 : memref<1x!tpu.dma_semaphore, #tpu.memory_space<semaphore_mem>> -> memref<!tpu.dma_semaphore, #tpu.memory_space<semaphore_mem>>
        tpu.wait_indirect_dma semaphore(%dma_wait3A_319 : memref<!tpu.dma_semaphore, #tpu.memory_space<semaphore_mem>>) src(%dma_wait3A_311 : memref<128x128xf32, #tpu.memory_space<vmem>>) dst(%dma_wait3A_317 : memref<10000x128xf32, #tpu.memory_space<vmem_shared>>)
      } else {
      }
      %add3A_274 = arith.constant 2 : i32
      %add3A_275 = arith.addi %while3A_255, %add3A_274 : i32
      %lt3A_276 = arith.cmpi slt, %add3A_275, %add3A_4 : i32
      %convert_element_type3A_277 = arith.extui %lt3A_276 : i1 to i32
      %cond3A_278 = arith.constant 0 : i32
      %cond3A_279 = arith.cmpi ne, %convert_element_type3A_277, %cond3A_278 : i32
      scf.if %cond3A_279 {
        %add3A_302 = arith.constant 2 : i32
        %add3A_303 = arith.addi %while3A_255, %add3A_302 : i32
        %rem3A_304 = arith.constant 3 : i32
        %rem3A_305 = arith.remsi %add3A_303, %rem3A_304 : i32
        %rem3A_306 = arith.constant 6 : i32
        %rem3A_307 = arith.remsi %add3A_303, %rem3A_306 : i32
        %mul3A_308 = arith.constant 32 : i32
        %mul3A_309 = arith.muli %add3A_303, %mul3A_308 : i32
        %add3A_310 = arith.addi %add3A, %mul3A_309 : i32
        %mul3A_311 = arith.constant 128 : i32
        %mul3A_312 = arith.muli %add3A_310, %mul3A_311 : i32
        %multiple_of3A_313 = tpu.assume_multiple %mul3A_312, 8 : i32
        %dma_wait3A_314 = arith.constant 0 : i32
        %dma_wait3A_315 = tpu.memref_slice %arg7[%rem3A_305, %dma_wait3A_314] : memref<3x128xi32, #tpu.memory_space<vmem>> -> memref<1x128xi32, #tpu.memory_space<vmem>>
        %dma_wait3A_316 = tpu.memref_squeeze %dma_wait3A_315 : memref<1x128xi32, #tpu.memory_space<vmem>> -> memref<128xi32, #tpu.memory_space<vmem>>
        %dma_wait3A_317 = tpu.memref_slice %arg3[%multiple_of3A_313] : memref<320000xi32, #tpu.memory_space<hbm>> -> memref<128xi32, #tpu.memory_space<hbm>>
        %dma_wait3A_318 = tpu.memref_slice %arg10[%rem3A_305] : memref<3x!tpu.dma_semaphore, #tpu.memory_space<semaphore_mem>> -> memref<1x!tpu.dma_semaphore, #tpu.memory_space<semaphore_mem>>
        %dma_wait3A_319 = tpu.memref_squeeze %dma_wait3A_318 : memref<1x!tpu.dma_semaphore, #tpu.memory_space<semaphore_mem>> -> memref<!tpu.dma_semaphore, #tpu.memory_space<semaphore_mem>>
        %dma_wait3A_320 = arith.constant 0 : i32
        %dma_wait3A_321 = tpu.memref_slice %arg7[%rem3A_305, %dma_wait3A_320] : memref<3x128xi32, #tpu.memory_space<vmem>> -> memref<1x128xi32, #tpu.memory_space<vmem>>
        %dma_wait3A_322 = tpu.memref_squeeze %dma_wait3A_321 : memref<1x128xi32, #tpu.memory_space<vmem>> -> memref<128xi32, #tpu.memory_space<vmem>>
        %dma_wait3A_323 = tpu.memref_slice %arg3[%multiple_of3A_313] : memref<320000xi32, #tpu.memory_space<hbm>> -> memref<128xi32, #tpu.memory_space<hbm>>
        tpu.wait_dma2 semaphore(%dma_wait3A_319 : memref<!tpu.dma_semaphore, #tpu.memory_space<semaphore_mem>>) src(%dma_wait3A_323 : memref<128xi32, #tpu.memory_space<hbm>>) dst(%dma_wait3A_322 : memref<128xi32, #tpu.memory_space<vmem>>)
        %mul3A_324 = arith.constant 32 : i32
        %mul3A_325 = arith.muli %add3A_303, %mul3A_324 : i32
        %add3A_326 = arith.addi %add3A, %mul3A_325 : i32
        %mul3A_327 = arith.constant 128 : i32
        %mul3A_328 = arith.muli %add3A_326, %mul3A_327 : i32
        %multiple_of3A_329 = tpu.assume_multiple %mul3A_328, 8 : i32
        %dma_wait3A_330 = arith.constant 0 : i32
        %dma_wait3A_331 = tpu.memref_slice %arg8[%rem3A_307, %dma_wait3A_330] : memref<6x128xi32, #tpu.memory_space<vmem>> -> memref<1x128xi32, #tpu.memory_space<vmem>>
        %dma_wait3A_332 = tpu.memref_squeeze %dma_wait3A_331 : memref<1x128xi32, #tpu.memory_space<vmem>> -> memref<128xi32, #tpu.memory_space<vmem>>
        %dma_wait3A_333 = tpu.memref_slice %arg4[%multiple_of3A_329] : memref<320000xi32, #tpu.memory_space<hbm>> -> memref<128xi32, #tpu.memory_space<hbm>>
        %dma_wait3A_334 = tpu.memref_slice %arg10[%rem3A_305] : memref<3x!tpu.dma_semaphore, #tpu.memory_space<semaphore_mem>> -> memref<1x!tpu.dma_semaphore, #tpu.memory_space<semaphore_mem>>
        %dma_wait3A_335 = tpu.memref_squeeze %dma_wait3A_334 : memref<1x!tpu.dma_semaphore, #tpu.memory_space<semaphore_mem>> -> memref<!tpu.dma_semaphore, #tpu.memory_space<semaphore_mem>>
        %dma_wait3A_336 = arith.constant 0 : i32
        %dma_wait3A_337 = tpu.memref_slice %arg8[%rem3A_307, %dma_wait3A_336] : memref<6x128xi32, #tpu.memory_space<vmem>> -> memref<1x128xi32, #tpu.memory_space<vmem>>
        %dma_wait3A_338 = tpu.memref_squeeze %dma_wait3A_337 : memref<1x128xi32, #tpu.memory_space<vmem>> -> memref<128xi32, #tpu.memory_space<vmem>>
        %dma_wait3A_339 = tpu.memref_slice %arg4[%multiple_of3A_329] : memref<320000xi32, #tpu.memory_space<hbm>> -> memref<128xi32, #tpu.memory_space<hbm>>
        tpu.wait_dma2 semaphore(%dma_wait3A_335 : memref<!tpu.dma_semaphore, #tpu.memory_space<semaphore_mem>>) src(%dma_wait3A_339 : memref<128xi32, #tpu.memory_space<hbm>>) dst(%dma_wait3A_338 : memref<128xi32, #tpu.memory_space<vmem>>)
        %add3A_340 = arith.constant 2 : i32
        %add3A_341 = arith.addi %while3A_255, %add3A_340 : i32
        %rem3A_342 = arith.constant 3 : i32
        %rem3A_343 = arith.remsi %add3A_341, %rem3A_342 : i32
        %dma_start3A_344 = arith.constant 0 : i32
        %dma_start3A_345 = arith.constant 0 : i32
        %dma_start3A_346 = tpu.memref_slice %arg9[%rem3A_343, %dma_start3A_344, %dma_start3A_345] : memref<3x128x128xf32, #tpu.memory_space<vmem>> -> memref<1x128x128xf32, #tpu.memory_space<vmem>>
        %dma_start3A_347 = tpu.memref_squeeze %dma_start3A_346 : memref<1x128x128xf32, #tpu.memory_space<vmem>> -> memref<128x128xf32, #tpu.memory_space<vmem>>
        %dma_start3A_348 = arith.constant 0 : i32
        %dma_start3A_349 = tpu.memref_slice %arg7[%rem3A_343, %dma_start3A_348] : memref<3x128xi32, #tpu.memory_space<vmem>> -> memref<1x128xi32, #tpu.memory_space<vmem>>
        %dma_start3A_350 = tpu.memref_squeeze %dma_start3A_349 : memref<1x128xi32, #tpu.memory_space<vmem>> -> memref<128xi32, #tpu.memory_space<vmem>>
        %dma_start3A_351 = arith.constant 0 : i32
        %dma_start3A_352 = arith.constant 0 : i32
        %dma_start3A_353 = tpu.memref_slice %arg2[%dma_start3A_351, %dma_start3A_352] : memref<40000x128xf32, #tpu.memory_space<hbm>> -> memref<40000x128xf32, #tpu.memory_space<hbm>>
        %dma_start3A_354 = tpu.memref_slice %arg11[%rem3A_343] : memref<3x!tpu.dma_semaphore, #tpu.memory_space<semaphore_mem>> -> memref<1x!tpu.dma_semaphore, #tpu.memory_space<semaphore_mem>>
        %dma_start3A_355 = tpu.memref_squeeze %dma_start3A_354 : memref<1x!tpu.dma_semaphore, #tpu.memory_space<semaphore_mem>> -> memref<!tpu.dma_semaphore, #tpu.memory_space<semaphore_mem>>
        tpu.enqueue_indirect_dma source(%dma_start3A_353 : memref<40000x128xf32, #tpu.memory_space<hbm>>) target(%dma_start3A_347 : memref<128x128xf32, #tpu.memory_space<vmem>>) offsets(%dma_start3A_350 : memref<128xi32, #tpu.memory_space<vmem>>) semaphore(%dma_start3A_355 : memref<!tpu.dma_semaphore, #tpu.memory_space<semaphore_mem>>)
      } else {
      }
      %rem3A_280 = arith.constant 3 : i32
      %rem3A_281 = arith.remsi %while3A_255, %rem3A_280 : i32
      %rem3A_282 = arith.constant 6 : i32
      %rem3A_283 = arith.remsi %while3A_255, %rem3A_282 : i32
      %dma_start3A_284 = arith.constant 0 : i32
      %dma_start3A_285 = arith.constant 0 : i32
      %dma_start3A_286 = tpu.memref_slice %arg9[%rem3A_281, %dma_start3A_284, %dma_start3A_285] : memref<3x128x128xf32, #tpu.memory_space<vmem>> -> memref<1x128x128xf32, #tpu.memory_space<vmem>>
      %dma_start3A_287 = tpu.memref_squeeze %dma_start3A_286 : memref<1x128x128xf32, #tpu.memory_space<vmem>> -> memref<128x128xf32, #tpu.memory_space<vmem>>
      %dma_start3A_288 = arith.constant 0 : i32
      %dma_start3A_289 = tpu.memref_slice %arg8[%rem3A_283, %dma_start3A_288] : memref<6x128xi32, #tpu.memory_space<vmem>> -> memref<1x128xi32, #tpu.memory_space<vmem>>
      %dma_start3A_290 = tpu.memref_squeeze %dma_start3A_289 : memref<1x128xi32, #tpu.memory_space<vmem>> -> memref<128xi32, #tpu.memory_space<vmem>>
      %dma_start3A_291 = arith.constant 0 : i32
      %dma_start3A_292 = arith.constant 0 : i32
      %dma_start3A_293 = tpu.memref_slice %arg13[%dma_start3A_291, %dma_start3A_292] : memref<10000x128xf32, #tpu.memory_space<vmem_shared>> -> memref<10000x128xf32, #tpu.memory_space<vmem_shared>>
      %dma_start3A_294 = tpu.memref_slice %arg12[%rem3A_281] : memref<3x!tpu.dma_semaphore, #tpu.memory_space<semaphore_mem>> -> memref<1x!tpu.dma_semaphore, #tpu.memory_space<semaphore_mem>>
      %dma_start3A_295 = tpu.memref_squeeze %dma_start3A_294 : memref<1x!tpu.dma_semaphore, #tpu.memory_space<semaphore_mem>> -> memref<!tpu.dma_semaphore, #tpu.memory_space<semaphore_mem>>
      tpu.enqueue_indirect_dma source(%dma_start3A_287 : memref<128x128xf32, #tpu.memory_space<vmem>>) target(%dma_start3A_293 : memref<10000x128xf32, #tpu.memory_space<vmem_shared>>) offsets(%dma_start3A_290 : memref<128xi32, #tpu.memory_space<vmem>>) semaphore(%dma_start3A_295 : memref<!tpu.dma_semaphore, #tpu.memory_space<semaphore_mem>>) {add = true}
      %add3A_296 = arith.constant 3 : i32
      %add3A_297 = arith.addi %while3A_255, %add3A_296 : i32
      %lt3A_298 = arith.cmpi slt, %add3A_297, %add3A_4 : i32
      %convert_element_type3A_299 = arith.extui %lt3A_298 : i1 to i32
      %cond3A_300 = arith.constant 0 : i32
      %cond3A_301 = arith.cmpi ne, %convert_element_type3A_299, %cond3A_300 : i32
      scf.if %cond3A_301 {
        %add3A_302 = arith.constant 3 : i32
        %add3A_303 = arith.addi %while3A_255, %add3A_302 : i32
        %rem3A_304 = arith.constant 3 : i32
        %rem3A_305 = arith.remsi %add3A_303, %rem3A_304 : i32
        %rem3A_306 = arith.constant 6 : i32
        %rem3A_307 = arith.remsi %add3A_303, %rem3A_306 : i32
        %mul3A_308 = arith.constant 32 : i32
        %mul3A_309 = arith.muli %add3A_303, %mul3A_308 : i32
        %add3A_310 = arith.addi %add3A, %mul3A_309 : i32
        %mul3A_311 = arith.constant 128 : i32
        %mul3A_312 = arith.muli %add3A_310, %mul3A_311 : i32
        %multiple_of3A_313 = tpu.assume_multiple %mul3A_312, 8 : i32
        %dma_start3A_314 = arith.constant 0 : i32
        %dma_start3A_315 = tpu.memref_slice %arg7[%rem3A_305, %dma_start3A_314] : memref<3x128xi32, #tpu.memory_space<vmem>> -> memref<1x128xi32, #tpu.memory_space<vmem>>
        %dma_start3A_316 = tpu.memref_squeeze %dma_start3A_315 : memref<1x128xi32, #tpu.memory_space<vmem>> -> memref<128xi32, #tpu.memory_space<vmem>>
        %dma_start3A_317 = tpu.memref_slice %arg3[%multiple_of3A_313] : memref<320000xi32, #tpu.memory_space<hbm>> -> memref<128xi32, #tpu.memory_space<hbm>>
        %dma_start3A_318 = tpu.memref_slice %arg10[%rem3A_305] : memref<3x!tpu.dma_semaphore, #tpu.memory_space<semaphore_mem>> -> memref<1x!tpu.dma_semaphore, #tpu.memory_space<semaphore_mem>>
        %dma_start3A_319 = tpu.memref_squeeze %dma_start3A_318 : memref<1x!tpu.dma_semaphore, #tpu.memory_space<semaphore_mem>> -> memref<!tpu.dma_semaphore, #tpu.memory_space<semaphore_mem>>
        %dma_start3A_320 = arith.constant 0 : i32
        %dma_start3A_321 = tpu.memref_slice %arg7[%rem3A_305, %dma_start3A_320] : memref<3x128xi32, #tpu.memory_space<vmem>> -> memref<1x128xi32, #tpu.memory_space<vmem>>
        %dma_start3A_322 = tpu.memref_squeeze %dma_start3A_321 : memref<1x128xi32, #tpu.memory_space<vmem>> -> memref<128xi32, #tpu.memory_space<vmem>>
        %dma_start3A_323 = tpu.memref_slice %arg3[%multiple_of3A_313] : memref<320000xi32, #tpu.memory_space<hbm>> -> memref<128xi32, #tpu.memory_space<hbm>>
        tpu.enqueue_dma source(%dma_start3A_323 : memref<128xi32, #tpu.memory_space<hbm>>) target(%dma_start3A_322 : memref<128xi32, #tpu.memory_space<vmem>>) target_semaphore(%dma_start3A_319 : memref<!tpu.dma_semaphore, #tpu.memory_space<semaphore_mem>>)
        %mul3A_324 = arith.constant 32 : i32
        %mul3A_325 = arith.muli %add3A_303, %mul3A_324 : i32
        %add3A_326 = arith.addi %add3A, %mul3A_325 : i32
        %mul3A_327 = arith.constant 128 : i32
        %mul3A_328 = arith.muli %add3A_326, %mul3A_327 : i32
        %multiple_of3A_329 = tpu.assume_multiple %mul3A_328, 8 : i32
        %dma_start3A_330 = arith.constant 0 : i32
        %dma_start3A_331 = tpu.memref_slice %arg8[%rem3A_307, %dma_start3A_330] : memref<6x128xi32, #tpu.memory_space<vmem>> -> memref<1x128xi32, #tpu.memory_space<vmem>>
        %dma_start3A_332 = tpu.memref_squeeze %dma_start3A_331 : memref<1x128xi32, #tpu.memory_space<vmem>> -> memref<128xi32, #tpu.memory_space<vmem>>
        %dma_start3A_333 = tpu.memref_slice %arg4[%multiple_of3A_329] : memref<320000xi32, #tpu.memory_space<hbm>> -> memref<128xi32, #tpu.memory_space<hbm>>
        %dma_start3A_334 = tpu.memref_slice %arg10[%rem3A_305] : memref<3x!tpu.dma_semaphore, #tpu.memory_space<semaphore_mem>> -> memref<1x!tpu.dma_semaphore, #tpu.memory_space<semaphore_mem>>
        %dma_start3A_335 = tpu.memref_squeeze %dma_start3A_334 : memref<1x!tpu.dma_semaphore, #tpu.memory_space<semaphore_mem>> -> memref<!tpu.dma_semaphore, #tpu.memory_space<semaphore_mem>>
        %dma_start3A_336 = arith.constant 0 : i32
        %dma_start3A_337 = tpu.memref_slice %arg8[%rem3A_307, %dma_start3A_336] : memref<6x128xi32, #tpu.memory_space<vmem>> -> memref<1x128xi32, #tpu.memory_space<vmem>>
        %dma_start3A_338 = tpu.memref_squeeze %dma_start3A_337 : memref<1x128xi32, #tpu.memory_space<vmem>> -> memref<128xi32, #tpu.memory_space<vmem>>
        %dma_start3A_339 = tpu.memref_slice %arg4[%multiple_of3A_329] : memref<320000xi32, #tpu.memory_space<hbm>> -> memref<128xi32, #tpu.memory_space<hbm>>
        tpu.enqueue_dma source(%dma_start3A_339 : memref<128xi32, #tpu.memory_space<hbm>>) target(%dma_start3A_338 : memref<128xi32, #tpu.memory_space<vmem>>) target_semaphore(%dma_start3A_335 : memref<!tpu.dma_semaphore, #tpu.memory_space<semaphore_mem>>)
      } else {
      }
    }
    %while3A_226 = arith.constant 1 : i32
    scf.for %while3A_255 = %while3A_224 to %while3A_220 step %while3A_226  : i32 {
      %rem3A_256 = arith.constant 3 : i32
      %rem3A_257 = arith.remsi %while3A_255, %rem3A_256 : i32
      %dma_wait3A_258 = arith.constant 0 : i32
      %dma_wait3A_259 = arith.constant 0 : i32
      %dma_wait3A_260 = tpu.memref_slice %arg9[%rem3A_257, %dma_wait3A_258, %dma_wait3A_259] : memref<3x128x128xf32, #tpu.memory_space<vmem>> -> memref<1x128x128xf32, #tpu.memory_space<vmem>>
      %dma_wait3A_261 = tpu.memref_squeeze %dma_wait3A_260 : memref<1x128x128xf32, #tpu.memory_space<vmem>> -> memref<128x128xf32, #tpu.memory_space<vmem>>
      %dma_wait3A_262 = arith.constant 0 : i32
      %dma_wait3A_263 = tpu.memref_slice %arg7[%rem3A_257, %dma_wait3A_262] : memref<3x128xi32, #tpu.memory_space<vmem>> -> memref<1x128xi32, #tpu.memory_space<vmem>>
      %dma_wait3A_264 = tpu.memref_squeeze %dma_wait3A_263 : memref<1x128xi32, #tpu.memory_space<vmem>> -> memref<128xi32, #tpu.memory_space<vmem>>
      %dma_wait3A_265 = arith.constant 0 : i32
      %dma_wait3A_266 = arith.constant 0 : i32
      %dma_wait3A_267 = tpu.memref_slice %arg2[%dma_wait3A_265, %dma_wait3A_266] : memref<40000x128xf32, #tpu.memory_space<hbm>> -> memref<40000x128xf32, #tpu.memory_space<hbm>>
      %dma_wait3A_268 = tpu.memref_slice %arg11[%rem3A_257] : memref<3x!tpu.dma_semaphore, #tpu.memory_space<semaphore_mem>> -> memref<1x!tpu.dma_semaphore, #tpu.memory_space<semaphore_mem>>
      %dma_wait3A_269 = tpu.memref_squeeze %dma_wait3A_268 : memref<1x!tpu.dma_semaphore, #tpu.memory_space<semaphore_mem>> -> memref<!tpu.dma_semaphore, #tpu.memory_space<semaphore_mem>>
      tpu.wait_indirect_dma semaphore(%dma_wait3A_269 : memref<!tpu.dma_semaphore, #tpu.memory_space<semaphore_mem>>) src(%dma_wait3A_267 : memref<40000x128xf32, #tpu.memory_space<hbm>>) dst(%dma_wait3A_261 : memref<128x128xf32, #tpu.memory_space<vmem>>)
      %ge3A = arith.constant 1 : i32
      %ge3A_270 = arith.cmpi sge, %while3A_255, %ge3A : i32
      %convert_element_type3A_271 = arith.extui %ge3A_270 : i1 to i32
      %cond3A_272 = arith.constant 0 : i32
      %cond3A_273 = arith.cmpi ne, %convert_element_type3A_271, %cond3A_272 : i32
      scf.if %cond3A_273 {
        %sub3A_302 = arith.constant 1 : i32
        %sub3A_303 = arith.subi %while3A_255, %sub3A_302 : i32
        %rem3A_304 = arith.constant 3 : i32
        %rem3A_305 = arith.remsi %sub3A_303, %rem3A_304 : i32
        %rem3A_306 = arith.constant 6 : i32
        %rem3A_307 = arith.remsi %sub3A_303, %rem3A_306 : i32
        %dma_wait3A_308 = arith.constant 0 : i32
        %dma_wait3A_309 = arith.constant 0 : i32
        %dma_wait3A_310 = tpu.memref_slice %arg9[%rem3A_305, %dma_wait3A_308, %dma_wait3A_309] : memref<3x128x128xf32, #tpu.memory_space<vmem>> -> memref<1x128x128xf32, #tpu.memory_space<vmem>>
        %dma_wait3A_311 = tpu.memref_squeeze %dma_wait3A_310 : memref<1x128x128xf32, #tpu.memory_space<vmem>> -> memref<128x128xf32, #tpu.memory_space<vmem>>
        %dma_wait3A_312 = arith.constant 0 : i32
        %dma_wait3A_313 = tpu.memref_slice %arg8[%rem3A_307, %dma_wait3A_312] : memref<6x128xi32, #tpu.memory_space<vmem>> -> memref<1x128xi32, #tpu.memory_space<vmem>>
        %dma_wait3A_314 = tpu.memref_squeeze %dma_wait3A_313 : memref<1x128xi32, #tpu.memory_space<vmem>> -> memref<128xi32, #tpu.memory_space<vmem>>
        %dma_wait3A_315 = arith.constant 0 : i32
        %dma_wait3A_316 = arith.constant 0 : i32
        %dma_wait3A_317 = tpu.memref_slice %arg13[%dma_wait3A_315, %dma_wait3A_316] : memref<10000x128xf32, #tpu.memory_space<vmem_shared>> -> memref<10000x128xf32, #tpu.memory_space<vmem_shared>>
        %dma_wait3A_318 = tpu.memref_slice %arg12[%rem3A_305] : memref<3x!tpu.dma_semaphore, #tpu.memory_space<semaphore_mem>> -> memref<1x!tpu.dma_semaphore, #tpu.memory_space<semaphore_mem>>
        %dma_wait3A_319 = tpu.memref_squeeze %dma_wait3A_318 : memref<1x!tpu.dma_semaphore, #tpu.memory_space<semaphore_mem>> -> memref<!tpu.dma_semaphore, #tpu.memory_space<semaphore_mem>>
        tpu.wait_indirect_dma semaphore(%dma_wait3A_319 : memref<!tpu.dma_semaphore, #tpu.memory_space<semaphore_mem>>) src(%dma_wait3A_311 : memref<128x128xf32, #tpu.memory_space<vmem>>) dst(%dma_wait3A_317 : memref<10000x128xf32, #tpu.memory_space<vmem_shared>>)
      } else {
      }
      %add3A_274 = arith.constant 2 : i32
      %add3A_275 = arith.addi %while3A_255, %add3A_274 : i32
      %lt3A_276 = arith.cmpi slt, %add3A_275, %add3A_4 : i32
      %convert_element_type3A_277 = arith.extui %lt3A_276 : i1 to i32
      %cond3A_278 = arith.constant 0 : i32
      %cond3A_279 = arith.cmpi ne, %convert_element_type3A_277, %cond3A_278 : i32
      scf.if %cond3A_279 {
        %add3A_302 = arith.constant 2 : i32
        %add3A_303 = arith.addi %while3A_255, %add3A_302 : i32
        %rem3A_304 = arith.constant 3 : i32
        %rem3A_305 = arith.remsi %add3A_303, %rem3A_304 : i32
        %rem3A_306 = arith.constant 6 : i32
        %rem3A_307 = arith.remsi %add3A_303, %rem3A_306 : i32
        %mul3A_308 = arith.constant 32 : i32
        %mul3A_309 = arith.muli %add3A_303, %mul3A_308 : i32
        %add3A_310 = arith.addi %add3A, %mul3A_309 : i32
        %mul3A_311 = arith.constant 128 : i32
        %mul3A_312 = arith.muli %add3A_310, %mul3A_311 : i32
        %multiple_of3A_313 = tpu.assume_multiple %mul3A_312, 8 : i32
        %dma_wait3A_314 = arith.constant 0 : i32
        %dma_wait3A_315 = tpu.memref_slice %arg7[%rem3A_305, %dma_wait3A_314] : memref<3x128xi32, #tpu.memory_space<vmem>> -> memref<1x128xi32, #tpu.memory_space<vmem>>
        %dma_wait3A_316 = tpu.memref_squeeze %dma_wait3A_315 : memref<1x128xi32, #tpu.memory_space<vmem>> -> memref<128xi32, #tpu.memory_space<vmem>>
        %dma_wait3A_317 = tpu.memref_slice %arg3[%multiple_of3A_313] : memref<320000xi32, #tpu.memory_space<hbm>> -> memref<128xi32, #tpu.memory_space<hbm>>
        %dma_wait3A_318 = tpu.memref_slice %arg10[%rem3A_305] : memref<3x!tpu.dma_semaphore, #tpu.memory_space<semaphore_mem>> -> memref<1x!tpu.dma_semaphore, #tpu.memory_space<semaphore_mem>>
        %dma_wait3A_319 = tpu.memref_squeeze %dma_wait3A_318 : memref<1x!tpu.dma_semaphore, #tpu.memory_space<semaphore_mem>> -> memref<!tpu.dma_semaphore, #tpu.memory_space<semaphore_mem>>
        %dma_wait3A_320 = arith.constant 0 : i32
        %dma_wait3A_321 = tpu.memref_slice %arg7[%rem3A_305, %dma_wait3A_320] : memref<3x128xi32, #tpu.memory_space<vmem>> -> memref<1x128xi32, #tpu.memory_space<vmem>>
        %dma_wait3A_322 = tpu.memref_squeeze %dma_wait3A_321 : memref<1x128xi32, #tpu.memory_space<vmem>> -> memref<128xi32, #tpu.memory_space<vmem>>
        %dma_wait3A_323 = tpu.memref_slice %arg3[%multiple_of3A_313] : memref<320000xi32, #tpu.memory_space<hbm>> -> memref<128xi32, #tpu.memory_space<hbm>>
        tpu.wait_dma2 semaphore(%dma_wait3A_319 : memref<!tpu.dma_semaphore, #tpu.memory_space<semaphore_mem>>) src(%dma_wait3A_323 : memref<128xi32, #tpu.memory_space<hbm>>) dst(%dma_wait3A_322 : memref<128xi32, #tpu.memory_space<vmem>>)
        %mul3A_324 = arith.constant 32 : i32
        %mul3A_325 = arith.muli %add3A_303, %mul3A_324 : i32
        %add3A_326 = arith.addi %add3A, %mul3A_325 : i32
        %mul3A_327 = arith.constant 128 : i32
        %mul3A_328 = arith.muli %add3A_326, %mul3A_327 : i32
        %multiple_of3A_329 = tpu.assume_multiple %mul3A_328, 8 : i32
        %dma_wait3A_330 = arith.constant 0 : i32
        %dma_wait3A_331 = tpu.memref_slice %arg8[%rem3A_307, %dma_wait3A_330] : memref<6x128xi32, #tpu.memory_space<vmem>> -> memref<1x128xi32, #tpu.memory_space<vmem>>
        %dma_wait3A_332 = tpu.memref_squeeze %dma_wait3A_331 : memref<1x128xi32, #tpu.memory_space<vmem>> -> memref<128xi32, #tpu.memory_space<vmem>>
        %dma_wait3A_333 = tpu.memref_slice %arg4[%multiple_of3A_329] : memref<320000xi32, #tpu.memory_space<hbm>> -> memref<128xi32, #tpu.memory_space<hbm>>
        %dma_wait3A_334 = tpu.memref_slice %arg10[%rem3A_305] : memref<3x!tpu.dma_semaphore, #tpu.memory_space<semaphore_mem>> -> memref<1x!tpu.dma_semaphore, #tpu.memory_space<semaphore_mem>>
        %dma_wait3A_335 = tpu.memref_squeeze %dma_wait3A_334 : memref<1x!tpu.dma_semaphore, #tpu.memory_space<semaphore_mem>> -> memref<!tpu.dma_semaphore, #tpu.memory_space<semaphore_mem>>
        %dma_wait3A_336 = arith.constant 0 : i32
        %dma_wait3A_337 = tpu.memref_slice %arg8[%rem3A_307, %dma_wait3A_336] : memref<6x128xi32, #tpu.memory_space<vmem>> -> memref<1x128xi32, #tpu.memory_space<vmem>>
        %dma_wait3A_338 = tpu.memref_squeeze %dma_wait3A_337 : memref<1x128xi32, #tpu.memory_space<vmem>> -> memref<128xi32, #tpu.memory_space<vmem>>
        %dma_wait3A_339 = tpu.memref_slice %arg4[%multiple_of3A_329] : memref<320000xi32, #tpu.memory_space<hbm>> -> memref<128xi32, #tpu.memory_space<hbm>>
        tpu.wait_dma2 semaphore(%dma_wait3A_335 : memref<!tpu.dma_semaphore, #tpu.memory_space<semaphore_mem>>) src(%dma_wait3A_339 : memref<128xi32, #tpu.memory_space<hbm>>) dst(%dma_wait3A_338 : memref<128xi32, #tpu.memory_space<vmem>>)
        %add3A_340 = arith.constant 2 : i32
        %add3A_341 = arith.addi %while3A_255, %add3A_340 : i32
        %rem3A_342 = arith.constant 3 : i32
        %rem3A_343 = arith.remsi %add3A_341, %rem3A_342 : i32
        %dma_start3A_344 = arith.constant 0 : i32
        %dma_start3A_345 = arith.constant 0 : i32
        %dma_start3A_346 = tpu.memref_slice %arg9[%rem3A_343, %dma_start3A_344, %dma_start3A_345] : memref<3x128x128xf32, #tpu.memory_space<vmem>> -> memref<1x128x128xf32, #tpu.memory_space<vmem>>
        %dma_start3A_347 = tpu.memref_squeeze %dma_start3A_346 : memref<1x128x128xf32, #tpu.memory_space<vmem>> -> memref<128x128xf32, #tpu.memory_space<vmem>>
        %dma_start3A_348 = arith.constant 0 : i32
        %dma_start3A_349 = tpu.memref_slice %arg7[%rem3A_343, %dma_start3A_348] : memref<3x128xi32, #tpu.memory_space<vmem>> -> memref<1x128xi32, #tpu.memory_space<vmem>>
        %dma_start3A_350 = tpu.memref_squeeze %dma_start3A_349 : memref<1x128xi32, #tpu.memory_space<vmem>> -> memref<128xi32, #tpu.memory_space<vmem>>
        %dma_start3A_351 = arith.constant 0 : i32
        %dma_start3A_352 = arith.constant 0 : i32
        %dma_start3A_353 = tpu.memref_slice %arg2[%dma_start3A_351, %dma_start3A_352] : memref<40000x128xf32, #tpu.memory_space<hbm>> -> memref<40000x128xf32, #tpu.memory_space<hbm>>
        %dma_start3A_354 = tpu.memref_slice %arg11[%rem3A_343] : memref<3x!tpu.dma_semaphore, #tpu.memory_space<semaphore_mem>> -> memref<1x!tpu.dma_semaphore, #tpu.memory_space<semaphore_mem>>
        %dma_start3A_355 = tpu.memref_squeeze %dma_start3A_354 : memref<1x!tpu.dma_semaphore, #tpu.memory_space<semaphore_mem>> -> memref<!tpu.dma_semaphore, #tpu.memory_space<semaphore_mem>>
        tpu.enqueue_indirect_dma source(%dma_start3A_353 : memref<40000x128xf32, #tpu.memory_space<hbm>>) target(%dma_start3A_347 : memref<128x128xf32, #tpu.memory_space<vmem>>) offsets(%dma_start3A_350 : memref<128xi32, #tpu.memory_space<vmem>>) semaphore(%dma_start3A_355 : memref<!tpu.dma_semaphore, #tpu.memory_space<semaphore_mem>>)
      } else {
      }
      %rem3A_280 = arith.constant 3 : i32
      %rem3A_281 = arith.remsi %while3A_255, %rem3A_280 : i32
      %rem3A_282 = arith.constant 6 : i32
      %rem3A_283 = arith.remsi %while3A_255, %rem3A_282 : i32
      %dma_start3A_284 = arith.constant 0 : i32
      %dma_start3A_285 = arith.constant 0 : i32
      %dma_start3A_286 = tpu.memref_slice %arg9[%rem3A_281, %dma_start3A_284, %dma_start3A_285] : memref<3x128x128xf32, #tpu.memory_space<vmem>> -> memref<1x128x128xf32, #tpu.memory_space<vmem>>
      %dma_start3A_287 = tpu.memref_squeeze %dma_start3A_286 : memref<1x128x128xf32, #tpu.memory_space<vmem>> -> memref<128x128xf32, #tpu.memory_space<vmem>>
      %dma_start3A_288 = arith.constant 0 : i32
      %dma_start3A_289 = tpu.memref_slice %arg8[%rem3A_283, %dma_start3A_288] : memref<6x128xi32, #tpu.memory_space<vmem>> -> memref<1x128xi32, #tpu.memory_space<vmem>>
      %dma_start3A_290 = tpu.memref_squeeze %dma_start3A_289 : memref<1x128xi32, #tpu.memory_space<vmem>> -> memref<128xi32, #tpu.memory_space<vmem>>
      %dma_start3A_291 = arith.constant 0 : i32
      %dma_start3A_292 = arith.constant 0 : i32
      %dma_start3A_293 = tpu.memref_slice %arg13[%dma_start3A_291, %dma_start3A_292] : memref<10000x128xf32, #tpu.memory_space<vmem_shared>> -> memref<10000x128xf32, #tpu.memory_space<vmem_shared>>
      %dma_start3A_294 = tpu.memref_slice %arg12[%rem3A_281] : memref<3x!tpu.dma_semaphore, #tpu.memory_space<semaphore_mem>> -> memref<1x!tpu.dma_semaphore, #tpu.memory_space<semaphore_mem>>
      %dma_start3A_295 = tpu.memref_squeeze %dma_start3A_294 : memref<1x!tpu.dma_semaphore, #tpu.memory_space<semaphore_mem>> -> memref<!tpu.dma_semaphore, #tpu.memory_space<semaphore_mem>>
      tpu.enqueue_indirect_dma source(%dma_start3A_287 : memref<128x128xf32, #tpu.memory_space<vmem>>) target(%dma_start3A_293 : memref<10000x128xf32, #tpu.memory_space<vmem_shared>>) offsets(%dma_start3A_290 : memref<128xi32, #tpu.memory_space<vmem>>) semaphore(%dma_start3A_295 : memref<!tpu.dma_semaphore, #tpu.memory_space<semaphore_mem>>) {add = true}
      %add3A_296 = arith.constant 3 : i32
      %add3A_297 = arith.addi %while3A_255, %add3A_296 : i32
      %lt3A_298 = arith.cmpi slt, %add3A_297, %add3A_4 : i32
      %convert_element_type3A_299 = arith.extui %lt3A_298 : i1 to i32
      %cond3A_300 = arith.constant 0 : i32
      %cond3A_301 = arith.cmpi ne, %convert_element_type3A_299, %cond3A_300 : i32
      scf.if %cond3A_301 {
        %add3A_302 = arith.constant 3 : i32
        %add3A_303 = arith.addi %while3A_255, %add3A_302 : i32
        %rem3A_304 = arith.constant 3 : i32
        %rem3A_305 = arith.remsi %add3A_303, %rem3A_304 : i32
        %rem3A_306 = arith.constant 6 : i32
        %rem3A_307 = arith.remsi %add3A_303, %rem3A_306 : i32
        %mul3A_308 = arith.constant 32 : i32
        %mul3A_309 = arith.muli %add3A_303, %mul3A_308 : i32
        %add3A_310 = arith.addi %add3A, %mul3A_309 : i32
        %mul3A_311 = arith.constant 128 : i32
        %mul3A_312 = arith.muli %add3A_310, %mul3A_311 : i32
        %multiple_of3A_313 = tpu.assume_multiple %mul3A_312, 8 : i32
        %dma_start3A_314 = arith.constant 0 : i32
        %dma_start3A_315 = tpu.memref_slice %arg7[%rem3A_305, %dma_start3A_314] : memref<3x128xi32, #tpu.memory_space<vmem>> -> memref<1x128xi32, #tpu.memory_space<vmem>>
        %dma_start3A_316 = tpu.memref_squeeze %dma_start3A_315 : memref<1x128xi32, #tpu.memory_space<vmem>> -> memref<128xi32, #tpu.memory_space<vmem>>
        %dma_start3A_317 = tpu.memref_slice %arg3[%multiple_of3A_313] : memref<320000xi32, #tpu.memory_space<hbm>> -> memref<128xi32, #tpu.memory_space<hbm>>
        %dma_start3A_318 = tpu.memref_slice %arg10[%rem3A_305] : memref<3x!tpu.dma_semaphore, #tpu.memory_space<semaphore_mem>> -> memref<1x!tpu.dma_semaphore, #tpu.memory_space<semaphore_mem>>
        %dma_start3A_319 = tpu.memref_squeeze %dma_start3A_318 : memref<1x!tpu.dma_semaphore, #tpu.memory_space<semaphore_mem>> -> memref<!tpu.dma_semaphore, #tpu.memory_space<semaphore_mem>>
        %dma_start3A_320 = arith.constant 0 : i32
        %dma_start3A_321 = tpu.memref_slice %arg7[%rem3A_305, %dma_start3A_320] : memref<3x128xi32, #tpu.memory_space<vmem>> -> memref<1x128xi32, #tpu.memory_space<vmem>>
        %dma_start3A_322 = tpu.memref_squeeze %dma_start3A_321 : memref<1x128xi32, #tpu.memory_space<vmem>> -> memref<128xi32, #tpu.memory_space<vmem>>
        %dma_start3A_323 = tpu.memref_slice %arg3[%multiple_of3A_313] : memref<320000xi32, #tpu.memory_space<hbm>> -> memref<128xi32, #tpu.memory_space<hbm>>
        tpu.enqueue_dma source(%dma_start3A_323 : memref<128xi32, #tpu.memory_space<hbm>>) target(%dma_start3A_322 : memref<128xi32, #tpu.memory_space<vmem>>) target_semaphore(%dma_start3A_319 : memref<!tpu.dma_semaphore, #tpu.memory_space<semaphore_mem>>)
        %mul3A_324 = arith.constant 32 : i32
        %mul3A_325 = arith.muli %add3A_303, %mul3A_324 : i32
        %add3A_326 = arith.addi %add3A, %mul3A_325 : i32
        %mul3A_327 = arith.constant 128 : i32
        %mul3A_328 = arith.muli %add3A_326, %mul3A_327 : i32
        %multiple_of3A_329 = tpu.assume_multiple %mul3A_328, 8 : i32
        %dma_start3A_330 = arith.constant 0 : i32
        %dma_start3A_331 = tpu.memref_slice %arg8[%rem3A_307, %dma_start3A_330] : memref<6x128xi32, #tpu.memory_space<vmem>> -> memref<1x128xi32, #tpu.memory_space<vmem>>
        %dma_start3A_332 = tpu.memref_squeeze %dma_start3A_331 : memref<1x128xi32, #tpu.memory_space<vmem>> -> memref<128xi32, #tpu.memory_space<vmem>>
        %dma_start3A_333 = tpu.memref_slice %arg4[%multiple_of3A_329] : memref<320000xi32, #tpu.memory_space<hbm>> -> memref<128xi32, #tpu.memory_space<hbm>>
        %dma_start3A_334 = tpu.memref_slice %arg10[%rem3A_305] : memref<3x!tpu.dma_semaphore, #tpu.memory_space<semaphore_mem>> -> memref<1x!tpu.dma_semaphore, #tpu.memory_space<semaphore_mem>>
        %dma_start3A_335 = tpu.memref_squeeze %dma_start3A_334 : memref<1x!tpu.dma_semaphore, #tpu.memory_space<semaphore_mem>> -> memref<!tpu.dma_semaphore, #tpu.memory_space<semaphore_mem>>
        %dma_start3A_336 = arith.constant 0 : i32
        %dma_start3A_337 = tpu.memref_slice %arg8[%rem3A_307, %dma_start3A_336] : memref<6x128xi32, #tpu.memory_space<vmem>> -> memref<1x128xi32, #tpu.memory_space<vmem>>
        %dma_start3A_338 = tpu.memref_squeeze %dma_start3A_337 : memref<1x128xi32, #tpu.memory_space<vmem>> -> memref<128xi32, #tpu.memory_space<vmem>>
        %dma_start3A_339 = tpu.memref_slice %arg4[%multiple_of3A_329] : memref<320000xi32, #tpu.memory_space<hbm>> -> memref<128xi32, #tpu.memory_space<hbm>>
        tpu.enqueue_dma source(%dma_start3A_339 : memref<128xi32, #tpu.memory_space<hbm>>) target(%dma_start3A_338 : memref<128xi32, #tpu.memory_space<vmem>>) target_semaphore(%dma_start3A_335 : memref<!tpu.dma_semaphore, #tpu.memory_space<semaphore_mem>>)
      } else {
      }
    }
    %sub3A = arith.constant 1 : i32
    %sub3A_227 = arith.subi %add3A_4, %sub3A : i32
    %rem3A_228 = arith.constant 3 : i32
    %rem3A_229 = arith.remsi %sub3A_227, %rem3A_228 : i32
    %rem3A_230 = arith.constant 6 : i32
    %rem3A_231 = arith.remsi %sub3A_227, %rem3A_230 : i32
    %dma_wait3A_232 = arith.constant 0 : i32
    %dma_wait3A_233 = arith.constant 0 : i32
    %dma_wait3A_234 = tpu.memref_slice %arg9[%rem3A_229, %dma_wait3A_232, %dma_wait3A_233] : memref<3x128x128xf32, #tpu.memory_space<vmem>> -> memref<1x128x128xf32, #tpu.memory_space<vmem>>
    %dma_wait3A_235 = tpu.memref_squeeze %dma_wait3A_234 : memref<1x128x128xf32, #tpu.memory_space<vmem>> -> memref<128x128xf32, #tpu.memory_space<vmem>>
    %dma_wait3A_236 = arith.constant 0 : i32
    %dma_wait3A_237 = tpu.memref_slice %arg8[%rem3A_231, %dma_wait3A_236] : memref<6x128xi32, #tpu.memory_space<vmem>> -> memref<1x128xi32, #tpu.memory_space<vmem>>
    %dma_wait3A_238 = tpu.memref_squeeze %dma_wait3A_237 : memref<1x128xi32, #tpu.memory_space<vmem>> -> memref<128xi32, #tpu.memory_space<vmem>>
    %dma_wait3A_239 = arith.constant 0 : i32
    %dma_wait3A_240 = arith.constant 0 : i32
    %dma_wait3A_241 = tpu.memref_slice %arg13[%dma_wait3A_239, %dma_wait3A_240] : memref<10000x128xf32, #tpu.memory_space<vmem_shared>> -> memref<10000x128xf32, #tpu.memory_space<vmem_shared>>
    %dma_wait3A_242 = tpu.memref_slice %arg12[%rem3A_229] : memref<3x!tpu.dma_semaphore, #tpu.memory_space<semaphore_mem>> -> memref<1x!tpu.dma_semaphore, #tpu.memory_space<semaphore_mem>>
    %dma_wait3A_243 = tpu.memref_squeeze %dma_wait3A_242 : memref<1x!tpu.dma_semaphore, #tpu.memory_space<semaphore_mem>> -> memref<!tpu.dma_semaphore, #tpu.memory_space<semaphore_mem>>
    tpu.wait_indirect_dma semaphore(%dma_wait3A_243 : memref<!tpu.dma_semaphore, #tpu.memory_space<semaphore_mem>>) src(%dma_wait3A_235 : memref<128x128xf32, #tpu.memory_space<vmem>>) dst(%dma_wait3A_241 : memref<10000x128xf32, #tpu.memory_space<vmem_shared>>)
    %barrier3A_244 = arith.constant 0 : index
    tpu.barrier barrier_id(%barrier3A_244)
    %lt3A_245 = arith.constant 15 : i32
    %lt3A_246 = arith.cmpi slt, %arg1, %lt3A_245 : i32
    %convert_element_type3A_247 = arith.extui %lt3A_246 : i1 to i32
    %cond3A_248 = arith.constant 0 : i32
    %cond3A_249 = arith.cmpi ne, %convert_element_type3A_247, %cond3A_248 : i32
    scf.if %cond3A_249 {
      %mul3A_255 = arith.constant 632 : i32
      %mul3A_256 = arith.muli %arg1, %mul3A_255 : i32
      %mul3A_257 = arith.constant 632 : i32
      %mul3A_258 = arith.muli %arg1, %mul3A_257 : i32
      "tpu.region"() ({
        %run_scoped3A = tpu.sem_alloc : memref<!tpu.dma_semaphore, #tpu.memory_space<semaphore_mem>>
        %dma_start3A_259 = arith.constant 0 : i32
        %dma_start3A_260 = tpu.memref_slice %arg6[%arg0, %mul3A_258, %dma_start3A_259] : memref<2x10000x128xf32, #tpu.memory_space<hbm>> -> memref<1x632x128xf32, #tpu.memory_space<hbm>>
        %dma_start3A_261 = tpu.memref_squeeze %dma_start3A_260 : memref<1x632x128xf32, #tpu.memory_space<hbm>> -> memref<632x128xf32, #tpu.memory_space<hbm>>
        %dma_start3A_262 = arith.constant 0 : i32
        %dma_start3A_263 = tpu.memref_slice %arg13[%mul3A_256, %dma_start3A_262] : memref<10000x128xf32, #tpu.memory_space<vmem_shared>> -> memref<632x128xf32, #tpu.memory_space<vmem_shared>>
        tpu.enqueue_dma source(%dma_start3A_263 : memref<632x128xf32, #tpu.memory_space<vmem_shared>>) target(%dma_start3A_261 : memref<632x128xf32, #tpu.memory_space<hbm>>) target_semaphore(%run_scoped3A : memref<!tpu.dma_semaphore, #tpu.memory_space<semaphore_mem>>)
        %dma_wait3A_264 = arith.constant 0 : i32
        %dma_wait3A_265 = tpu.memref_slice %arg6[%arg0, %mul3A_258, %dma_wait3A_264] : memref<2x10000x128xf32, #tpu.memory_space<hbm>> -> memref<1x632x128xf32, #tpu.memory_space<hbm>>
        %dma_wait3A_266 = tpu.memref_squeeze %dma_wait3A_265 : memref<1x632x128xf32, #tpu.memory_space<hbm>> -> memref<632x128xf32, #tpu.memory_space<hbm>>
        %dma_wait3A_267 = arith.constant 0 : i32
        %dma_wait3A_268 = tpu.memref_slice %arg13[%mul3A_256, %dma_wait3A_267] : memref<10000x128xf32, #tpu.memory_space<vmem_shared>> -> memref<632x128xf32, #tpu.memory_space<vmem_shared>>
        tpu.wait_dma2 semaphore(%run_scoped3A : memref<!tpu.dma_semaphore, #tpu.memory_space<semaphore_mem>>) src(%dma_wait3A_268 : memref<632x128xf32, #tpu.memory_space<vmem_shared>>) dst(%dma_wait3A_266 : memref<632x128xf32, #tpu.memory_space<hbm>>)
        tpu.yield
      }) : () -> ()
    } else {
    }
    %eq3A_250 = arith.constant 15 : i32
    %eq3A_251 = arith.cmpi eq, %arg1, %eq3A_250 : i32
    %convert_element_type3A_252 = arith.extui %eq3A_251 : i1 to i32
    %cond3A_253 = arith.constant 0 : i32
    %cond3A_254 = arith.cmpi ne, %convert_element_type3A_252, %cond3A_253 : i32
    scf.if %cond3A_254 {
      "tpu.region"() ({
        %run_scoped3A = tpu.sem_alloc : memref<!tpu.dma_semaphore, #tpu.memory_space<semaphore_mem>>
        %dma_start3A_255 = arith.constant 9480 : i32
        %dma_start3A_256 = arith.constant 0 : i32
        %dma_start3A_257 = tpu.memref_slice %arg6[%arg0, %dma_start3A_255, %dma_start3A_256] : memref<2x10000x128xf32, #tpu.memory_space<hbm>> -> memref<1x520x128xf32, #tpu.memory_space<hbm>>
        %dma_start3A_258 = tpu.memref_squeeze %dma_start3A_257 : memref<1x520x128xf32, #tpu.memory_space<hbm>> -> memref<520x128xf32, #tpu.memory_space<hbm>>
        %dma_start3A_259 = arith.constant 9480 : i32
        %dma_start3A_260 = arith.constant 0 : i32
        %dma_start3A_261 = tpu.memref_slice %arg13[%dma_start3A_259, %dma_start3A_260] : memref<10000x128xf32, #tpu.memory_space<vmem_shared>> -> memref<520x128xf32, #tpu.memory_space<vmem_shared>>
        tpu.enqueue_dma source(%dma_start3A_261 : memref<520x128xf32, #tpu.memory_space<vmem_shared>>) target(%dma_start3A_258 : memref<520x128xf32, #tpu.memory_space<hbm>>) target_semaphore(%run_scoped3A : memref<!tpu.dma_semaphore, #tpu.memory_space<semaphore_mem>>)
        %dma_wait3A_262 = arith.constant 9480 : i32
        %dma_wait3A_263 = arith.constant 0 : i32
        %dma_wait3A_264 = tpu.memref_slice %arg6[%arg0, %dma_wait3A_262, %dma_wait3A_263] : memref<2x10000x128xf32, #tpu.memory_space<hbm>> -> memref<1x520x128xf32, #tpu.memory_space<hbm>>
        %dma_wait3A_265 = tpu.memref_squeeze %dma_wait3A_264 : memref<1x520x128xf32, #tpu.memory_space<hbm>> -> memref<520x128xf32, #tpu.memory_space<hbm>>
        %dma_wait3A_266 = arith.constant 9480 : i32
        %dma_wait3A_267 = arith.constant 0 : i32
        %dma_wait3A_268 = tpu.memref_slice %arg13[%dma_wait3A_266, %dma_wait3A_267] : memref<10000x128xf32, #tpu.memory_space<vmem_shared>> -> memref<520x128xf32, #tpu.memory_space<vmem_shared>>
        tpu.wait_dma2 semaphore(%run_scoped3A : memref<!tpu.dma_semaphore, #tpu.memory_space<semaphore_mem>>) src(%dma_wait3A_268 : memref<520x128xf32, #tpu.memory_space<vmem_shared>>) dst(%dma_wait3A_265 : memref<520x128xf32, #tpu.memory_space<hbm>>)
        tpu.yield
      }) : () -> ()
    } else {
    }
    return
  }
}

module attributes {stable_mosaic.version = 14 : i64} {
  func.func @_prep_body(%arg0: i32, %arg1: memref<1000x128xf32, #tpu.memory_space<vmem>>, %arg2: memref<4x128xf32, #tpu.memory_space<vmem>>, %arg3: memref<2500x128xi32, #tpu.memory_space<vmem>>, %arg4: memref<2500x128xi32, #tpu.memory_space<vmem>>, %arg5: memref<1000x4x128xf32, #tpu.memory_space<vmem>>, %arg6: memref<2500x128xi32, #tpu.memory_space<vmem>>, %arg7: memref<64x128xf32, #tpu.memory_space<vmem>>) attributes {dimension_semantics = [#tpu.dimension_semantics<arbitrary>], iteration_bounds = array<i64: 10>, scalar_prefetch = 0 : i64, scratch_operands = 0 : i64, tpu.core_type = #tpu.core_type<tc>, window_params = [{transform_indices = @transform_0, window_bounds = array<i64: 1000, 128>}, {pipeline_mode = #tpu.pipeline_mode<synchronous>, transform_indices = @transform_1, window_bounds = array<i64: 4, 128>}, {pipeline_mode = #tpu.pipeline_mode<synchronous>, transform_indices = @transform_2, window_bounds = array<i64: 2500, 128>}, {pipeline_mode = #tpu.pipeline_mode<synchronous>, transform_indices = @transform_3, window_bounds = array<i64: 2500, 128>}, {transform_indices = @transform_4, window_bounds = array<i64: 1000, 4, 128>}, {pipeline_mode = #tpu.pipeline_mode<synchronous>, transform_indices = @transform_5, window_bounds = array<i64: 2500, 128>}, {transform_indices = @transform_6, window_bounds = array<i64: 64, 128>}]} {
    %get3A = arith.constant 0 : index
    %get3A_0 = arith.constant 0 : index
    %get3A_1 = vector.load %arg1[%get3A, %get3A_0] : memref<1000x128xf32, #tpu.memory_space<vmem>>, vector<1000x128xf32>
    %get3A_2 = arith.constant 0 : index
    %get3A_3 = arith.constant 0 : index
    %get3A_4 = vector.load %arg2[%get3A_2, %get3A_3] : memref<4x128xf32, #tpu.memory_space<vmem>>, vector<1x128xf32>
    %add3A = vector.broadcast %get3A_4 : vector<1x128xf32> to vector<1000x128xf32>
    %add3A_5 = arith.addf %get3A_1, %add3A : vector<1000x128xf32>
    %max3A = arith.constant 0.000000e+00 : f32
    %max3A_6 = vector.broadcast %max3A : f32 to vector<1000x128xf32>
    %max3A_7 = arith.maximumf %add3A_5, %max3A_6 : vector<1000x128xf32>
    %swap3A = arith.constant 0 : index
    %swap3A_8 = arith.constant 0 : index
    %swap3A_9 = arith.constant 0 : index
    %swap3A_10 = vector.load %arg5[%swap3A, %swap3A_8, %swap3A_9] : memref<1000x4x128xf32, #tpu.memory_space<vmem>>, vector<1000x1x128xf32>
    %swap3A_11 = vector.shape_cast %swap3A_10 : vector<1000x1x128xf32> to vector<1000x128xf32>
    %swap3A_12 = vector.shape_cast %max3A_7 : vector<1000x128xf32> to vector<1000x1x128xf32>
    tpu.vector_store %arg5[%swap3A, %swap3A_8, %swap3A_9], %swap3A_12 {strides = array<i32>} : memref<1000x4x128xf32, #tpu.memory_space<vmem>>, vector<1000x1x128xf32>,
    %get3A_13 = arith.constant 1 : index
    %get3A_14 = arith.constant 0 : index
    %get3A_15 = vector.load %arg2[%get3A_13, %get3A_14] : memref<4x128xf32, #tpu.memory_space<vmem>>, vector<1x128xf32>
    %add3A_16 = vector.broadcast %get3A_15 : vector<1x128xf32> to vector<1000x128xf32>
    %add3A_17 = arith.addf %get3A_1, %add3A_16 : vector<1000x128xf32>
    %max3A_18 = arith.constant 0.000000e+00 : f32
    %max3A_19 = vector.broadcast %max3A_18 : f32 to vector<1000x128xf32>
    %max3A_20 = arith.maximumf %add3A_17, %max3A_19 : vector<1000x128xf32>
    %swap3A_21 = arith.constant 0 : index
    %swap3A_22 = arith.constant 1 : index
    %swap3A_23 = arith.constant 0 : index
    %swap3A_24 = vector.load %arg5[%swap3A_21, %swap3A_22, %swap3A_23] : memref<1000x4x128xf32, #tpu.memory_space<vmem>>, vector<1000x1x128xf32>
    %swap3A_25 = vector.shape_cast %swap3A_24 : vector<1000x1x128xf32> to vector<1000x128xf32>
    %swap3A_26 = vector.shape_cast %max3A_20 : vector<1000x128xf32> to vector<1000x1x128xf32>
    tpu.vector_store %arg5[%swap3A_21, %swap3A_22, %swap3A_23], %swap3A_26 {strides = array<i32>} : memref<1000x4x128xf32, #tpu.memory_space<vmem>>, vector<1000x1x128xf32>,
    %get3A_27 = arith.constant 2 : index
    %get3A_28 = arith.constant 0 : index
    %get3A_29 = vector.load %arg2[%get3A_27, %get3A_28] : memref<4x128xf32, #tpu.memory_space<vmem>>, vector<1x128xf32>
    %add3A_30 = vector.broadcast %get3A_29 : vector<1x128xf32> to vector<1000x128xf32>
    %add3A_31 = arith.addf %get3A_1, %add3A_30 : vector<1000x128xf32>
    %max3A_32 = arith.constant 0.000000e+00 : f32
    %max3A_33 = vector.broadcast %max3A_32 : f32 to vector<1000x128xf32>
    %max3A_34 = arith.maximumf %add3A_31, %max3A_33 : vector<1000x128xf32>
    %swap3A_35 = arith.constant 0 : index
    %swap3A_36 = arith.constant 2 : index
    %swap3A_37 = arith.constant 0 : index
    %swap3A_38 = vector.load %arg5[%swap3A_35, %swap3A_36, %swap3A_37] : memref<1000x4x128xf32, #tpu.memory_space<vmem>>, vector<1000x1x128xf32>
    %swap3A_39 = vector.shape_cast %swap3A_38 : vector<1000x1x128xf32> to vector<1000x128xf32>
    %swap3A_40 = vector.shape_cast %max3A_34 : vector<1000x128xf32> to vector<1000x1x128xf32>
    tpu.vector_store %arg5[%swap3A_35, %swap3A_36, %swap3A_37], %swap3A_40 {strides = array<i32>} : memref<1000x4x128xf32, #tpu.memory_space<vmem>>, vector<1000x1x128xf32>,
    %get3A_41 = arith.constant 3 : index
    %get3A_42 = arith.constant 0 : index
    %get3A_43 = vector.load %arg2[%get3A_41, %get3A_42] : memref<4x128xf32, #tpu.memory_space<vmem>>, vector<1x128xf32>
    %add3A_44 = vector.broadcast %get3A_43 : vector<1x128xf32> to vector<1000x128xf32>
    %add3A_45 = arith.addf %get3A_1, %add3A_44 : vector<1000x128xf32>
    %max3A_46 = arith.constant 0.000000e+00 : f32
    %max3A_47 = vector.broadcast %max3A_46 : f32 to vector<1000x128xf32>
    %max3A_48 = arith.maximumf %add3A_45, %max3A_47 : vector<1000x128xf32>
    %swap3A_49 = arith.constant 0 : index
    %swap3A_50 = arith.constant 3 : index
    %swap3A_51 = arith.constant 0 : index
    %swap3A_52 = vector.load %arg5[%swap3A_49, %swap3A_50, %swap3A_51] : memref<1000x4x128xf32, #tpu.memory_space<vmem>>, vector<1000x1x128xf32>
    %swap3A_53 = vector.shape_cast %swap3A_52 : vector<1000x1x128xf32> to vector<1000x128xf32>
    %swap3A_54 = vector.shape_cast %max3A_48 : vector<1000x128xf32> to vector<1000x1x128xf32>
    tpu.vector_store %arg5[%swap3A_49, %swap3A_50, %swap3A_51], %swap3A_54 {strides = array<i32>} : memref<1000x4x128xf32, #tpu.memory_space<vmem>>, vector<1000x1x128xf32>,
    %get3A_55 = arith.constant 0 : index
    %get3A_56 = arith.constant 0 : index
    %get3A_57 = vector.load %arg3[%get3A_55, %get3A_56] : memref<2500x128xi32, #tpu.memory_space<vmem>>, vector<2500x128xi32>
    %mul3A = arith.constant 4 : i32
    %mul3A_58 = vector.broadcast %mul3A : i32 to vector<2500x128xi32>
    %mul3A_59 = arith.muli %get3A_57, %mul3A_58 : vector<2500x128xi32>
    %get3A_60 = arith.constant 0 : index
    %get3A_61 = arith.constant 0 : index
    %get3A_62 = vector.load %arg4[%get3A_60, %get3A_61] : memref<2500x128xi32, #tpu.memory_space<vmem>>, vector<2500x128xi32>
    %add3A_63 = arith.addi %mul3A_59, %get3A_62 : vector<2500x128xi32>
    %swap3A_64 = arith.constant 0 : index
    %swap3A_65 = arith.constant 0 : index
    %swap3A_66 = vector.load %arg6[%swap3A_64, %swap3A_65] : memref<2500x128xi32, #tpu.memory_space<vmem>>, vector<2500x128xi32>
    tpu.vector_store %arg6[%swap3A_64, %swap3A_65], %add3A_63 {strides = array<i32>} : memref<2500x128xi32, #tpu.memory_space<vmem>>, vector<2500x128xi32>,
    %broadcast_in_dim3A = arith.constant 0.000000e+00 : f32
    %broadcast_in_dim3A_67 = vector.broadcast %broadcast_in_dim3A : f32 to vector<64x128xf32>
    %swap3A_68 = arith.constant 0 : index
    %swap3A_69 = arith.constant 0 : index
    %swap3A_70 = vector.load %arg7[%swap3A_68, %swap3A_69] : memref<64x128xf32, #tpu.memory_space<vmem>>, vector<64x128xf32>
    tpu.vector_store %arg7[%swap3A_68, %swap3A_69], %broadcast_in_dim3A_67 {strides = array<i32>} : memref<64x128xf32, #tpu.memory_space<vmem>>, vector<64x128xf32>,
    return
  }
  func.func @transform_0(%arg0: i32) -> (i32, i32) {
    %c0_i32 = arith.constant 0 : i32
    %c0_i32_0 = arith.constant 0 : i32
    return %arg0, %c0_i32 : i32, i32
  }
  func.func @transform_1(%arg0: i32) -> (i32, i32) {
    %c0_i32 = arith.constant 0 : i32
    %c0_i32_0 = arith.constant 0 : i32
    %c0_i32_1 = arith.constant 0 : i32
    return %c0_i32, %c0_i32_0 : i32, i32
  }
  func.func @transform_2(%arg0: i32) -> (i32, i32) {
    %c0_i32 = arith.constant 0 : i32
    %c0_i32_0 = arith.constant 0 : i32
    %c0_i32_1 = arith.constant 0 : i32
    return %c0_i32, %c0_i32_0 : i32, i32
  }
  func.func @transform_3(%arg0: i32) -> (i32, i32) {
    %c0_i32 = arith.constant 0 : i32
    %c0_i32_0 = arith.constant 0 : i32
    %c0_i32_1 = arith.constant 0 : i32
    return %c0_i32, %c0_i32_0 : i32, i32
  }
  func.func @transform_4(%arg0: i32) -> (i32, i32, i32) {
    %c0_i32 = arith.constant 0 : i32
    %c0_i32_0 = arith.constant 0 : i32
    %c0_i32_1 = arith.constant 0 : i32
    return %arg0, %c0_i32, %c0_i32_0 : i32, i32, i32
  }
  func.func @transform_5(%arg0: i32) -> (i32, i32) {
    %c0_i32 = arith.constant 0 : i32
    %c0_i32_0 = arith.constant 0 : i32
    %c0_i32_1 = arith.constant 0 : i32
    return %c0_i32, %c0_i32_0 : i32, i32
  }
  func.func @transform_6(%arg0: i32) -> (i32, i32) {
    %c0_i32 = arith.constant 0 : i32
    %c0_i32_0 = arith.constant 0 : i32
    return %arg0, %c0_i32 : i32, i32
  }
}

module attributes {stable_mosaic.version = 14 : i64} {
  func.func @_mlp_body(%arg0: memref<10000x128xf32, #tpu.memory_space<vmem>>, %arg1: memref<2x10000x128xf32, #tpu.memory_space<vmem>>, %arg2: memref<128x128xf32, #tpu.memory_space<vmem>>, %arg3: memref<1x128xf32, #tpu.memory_space<vmem>>, %arg4: memref<1x128xf32, #tpu.memory_space<vmem>>, %arg5: memref<1x128xf32, #tpu.memory_space<vmem>>, %arg6: memref<128x128xf32, #tpu.memory_space<vmem>>, %arg7: memref<1x128xf32, #tpu.memory_space<vmem>>, %arg8: memref<1xf32, #tpu.memory_space<smem>>, %arg9: memref<10000x128xf32, #tpu.memory_space<vmem>>) attributes {dimension_semantics = [], scalar_prefetch = 0 : i64, scratch_operands = 0 : i64, tpu.core_type = #tpu.core_type<tc>} {
    %get3A = arith.constant 0 : index
    %get3A_0 = arith.constant 0 : index
    %get3A_1 = vector.load %arg0[%get3A, %get3A_0] : memref<10000x128xf32, #tpu.memory_space<vmem>>, vector<10000x128xf32>
    %get3A_2 = arith.constant 0 : index
    %get3A_3 = memref.load %arg8[%get3A_2] : memref<1xf32, #tpu.memory_space<smem>>
    %add3A = arith.constant 1.000000e+00 : f32
    %add3A_4 = arith.addf %add3A, %get3A_3 : f32
    %mul3A = vector.broadcast %add3A_4 : f32 to vector<10000x128xf32>
    %mul3A_5 = arith.mulf %get3A_1, %mul3A : vector<10000x128xf32>
    %get3A_6 = arith.constant 0 : index
    %get3A_7 = arith.constant 0 : index
    %get3A_8 = arith.constant 0 : index
    %get3A_9 = vector.load %arg1[%get3A_6, %get3A_7, %get3A_8] : memref<2x10000x128xf32, #tpu.memory_space<vmem>>, vector<1x10000x128xf32>
    %get3A_10 = vector.shape_cast %get3A_9 : vector<1x10000x128xf32> to vector<10000x128xf32>
    %add3A_11 = arith.addf %mul3A_5, %get3A_10 : vector<10000x128xf32>
    %get3A_12 = arith.constant 1 : index
    %get3A_13 = arith.constant 0 : index
    %get3A_14 = arith.constant 0 : index
    %get3A_15 = vector.load %arg1[%get3A_12, %get3A_13, %get3A_14] : memref<2x10000x128xf32, #tpu.memory_space<vmem>>, vector<1x10000x128xf32>
    %get3A_16 = vector.shape_cast %get3A_15 : vector<1x10000x128xf32> to vector<10000x128xf32>
    %add3A_17 = arith.addf %add3A_11, %get3A_16 : vector<10000x128xf32>
    %get3A_18 = arith.constant 0 : index
    %get3A_19 = arith.constant 0 : index
    %get3A_20 = vector.load %arg2[%get3A_18, %get3A_19] : memref<128x128xf32, #tpu.memory_space<vmem>>, vector<128x128xf32>
    %dot_general3A = arith.constant dense<0.000000e+00> : vector<10000x128xf32>
    %dot_general3A_21 = tpu.matmul %add3A_17, %get3A_20, %dot_general3A {dimension_numbers = #tpu.dot_dimension_numbers<[1], [0], [0], [1], [0, 0, 1, 1], [], []>, transpose_lhs_hint = false} : vector<10000x128xf32>, vector<128x128xf32>, vector<10000x128xf32> -> vector<10000x128xf32>
    %get3A_22 = arith.constant 0 : index
    %get3A_23 = arith.constant 0 : index
    %get3A_24 = vector.load %arg3[%get3A_22, %get3A_23] : memref<1x128xf32, #tpu.memory_space<vmem>>, vector<1x128xf32>
    %add3A_25 = vector.broadcast %get3A_24 : vector<1x128xf32> to vector<10000x128xf32>
    %add3A_26 = arith.addf %dot_general3A_21, %add3A_25 : vector<10000x128xf32>
    %reduce_sum3A = arith.constant dense<0.000000e+00> : vector<128xf32>
    %reduce_sum3A_27 = vector.multi_reduction <add>, %add3A_26, %reduce_sum3A [0] : vector<10000x128xf32> to vector<128xf32>
    %broadcast_in_dim3A = vector.shape_cast %reduce_sum3A_27 : vector<128xf32> to vector<1x128xf32>
    %div3A = arith.constant 1.000000e+04 : f32
    %div3A_28 = vector.broadcast %div3A : f32 to vector<1x128xf32>
    %div3A_29 = arith.divf %broadcast_in_dim3A, %div3A_28 : vector<1x128xf32>
    %sub3A = vector.broadcast %div3A_29 : vector<1x128xf32> to vector<10000x128xf32>
    %sub3A_30 = arith.subf %add3A_26, %sub3A : vector<10000x128xf32>
    %square3A = arith.mulf %sub3A_30, %sub3A_30 : vector<10000x128xf32>
    %reduce_sum3A_31 = arith.constant dense<0.000000e+00> : vector<128xf32>
    %reduce_sum3A_32 = vector.multi_reduction <add>, %square3A, %reduce_sum3A_31 [0] : vector<10000x128xf32> to vector<128xf32>
    %broadcast_in_dim3A_33 = vector.shape_cast %reduce_sum3A_32 : vector<128xf32> to vector<1x128xf32>
    %div3A_34 = arith.constant 1.000000e+04 : f32
    %div3A_35 = vector.broadcast %div3A_34 : f32 to vector<1x128xf32>
    %div3A_36 = arith.divf %broadcast_in_dim3A_33, %div3A_35 : vector<1x128xf32>
    %sub3A_37 = vector.broadcast %div3A_29 : vector<1x128xf32> to vector<10000x128xf32>
    %sub3A_38 = arith.subf %add3A_26, %sub3A_37 : vector<10000x128xf32>
    %add3A_39 = arith.constant 9.99999974E-6 : f32
    %add3A_40 = vector.broadcast %add3A_39 : f32 to vector<1x128xf32>
    %add3A_41 = arith.addf %div3A_36, %add3A_40 : vector<1x128xf32>
    %sqrt3A = math.sqrt %add3A_41 : vector<1x128xf32>
    %div3A_42 = vector.broadcast %sqrt3A : vector<1x128xf32> to vector<10000x128xf32>
    %div3A_43 = arith.divf %sub3A_38, %div3A_42 : vector<10000x128xf32>
    %get3A_44 = arith.constant 0 : index
    %get3A_45 = arith.constant 0 : index
    %get3A_46 = vector.load %arg4[%get3A_44, %get3A_45] : memref<1x128xf32, #tpu.memory_space<vmem>>, vector<1x128xf32>
    %mul3A_47 = vector.broadcast %get3A_46 : vector<1x128xf32> to vector<10000x128xf32>
    %mul3A_48 = arith.mulf %div3A_43, %mul3A_47 : vector<10000x128xf32>
    %get3A_49 = arith.constant 0 : index
    %get3A_50 = arith.constant 0 : index
    %get3A_51 = vector.load %arg5[%get3A_49, %get3A_50] : memref<1x128xf32, #tpu.memory_space<vmem>>, vector<1x128xf32>
    %add3A_52 = vector.broadcast %get3A_51 : vector<1x128xf32> to vector<10000x128xf32>
    %add3A_53 = arith.addf %mul3A_48, %add3A_52 : vector<10000x128xf32>
    %max3A = arith.constant 0.000000e+00 : f32
    %max3A_54 = vector.broadcast %max3A : f32 to vector<10000x128xf32>
    %max3A_55 = arith.maximumf %add3A_53, %max3A_54 : vector<10000x128xf32>
    %get3A_56 = arith.constant 0 : index
    %get3A_57 = arith.constant 0 : index
    %get3A_58 = vector.load %arg6[%get3A_56, %get3A_57] : memref<128x128xf32, #tpu.memory_space<vmem>>, vector<128x128xf32>
    %dot_general3A_59 = arith.constant dense<0.000000e+00> : vector<10000x128xf32>
    %dot_general3A_60 = tpu.matmul %max3A_55, %get3A_58, %dot_general3A_59 {dimension_numbers = #tpu.dot_dimension_numbers<[1], [0], [0], [1], [0, 0, 1, 1], [], []>, transpose_lhs_hint = false} : vector<10000x128xf32>, vector<128x128xf32>, vector<10000x128xf32> -> vector<10000x128xf32>
    %get3A_61 = arith.constant 0 : index
    %get3A_62 = arith.constant 0 : index
    %get3A_63 = vector.load %arg7[%get3A_61, %get3A_62] : memref<1x128xf32, #tpu.memory_space<vmem>>, vector<1x128xf32>
    %add3A_64 = vector.broadcast %get3A_63 : vector<1x128xf32> to vector<10000x128xf32>
    %add3A_65 = arith.addf %dot_general3A_60, %add3A_64 : vector<10000x128xf32>
    %swap3A = arith.constant 0 : index
    %swap3A_66 = arith.constant 0 : index
    %swap3A_67 = vector.load %arg9[%swap3A, %swap3A_66] : memref<10000x128xf32, #tpu.memory_space<vmem>>, vector<10000x128xf32>
    tpu.vector_store %arg9[%swap3A, %swap3A_66], %add3A_65 {strides = array<i32>} : memref<10000x128xf32, #tpu.memory_space<vmem>>, vector<10000x128xf32>,
    return
  }
}

</mosaic_0001>

<sc_bundles>
// kernel: kernel.5.cloned.1.call-start
scs
__scs_entry_jumppad:
0x0: {  	(pc) =	sbr.rel $0x88, $3  }
0x1: {  	(tag) =	ssettag $0x0;
	lr =	simm.s32 $0x1  }
0x2: {  	[smem:$0x3F96] =	sst lr;
	_ =	strace $0xD0000000  }
0x3: {  	_ = 	snop  }
0x4: {  	_ = 	snop  }
0x5: {  	_ = 	snop  }
0x6: {  	_ = 	snop  }
0x7: {  	_ = 	snop  }
__scs_overlays_trampoline_lowered:
0x8: {  	[smem:$0x3FA5] =	sst s0  }
0x9: {  	[smem:$0x3FA6] =	sst s1  }
0xa: {  	[smem:$0x3FA7] =	sst s2  }
0xb: {  	[smem:$0x3FA8] =	sst s3  }
0xc: {  	[smem:$0x3FA9] =	sst s4  }
0xd: {  	[smem:$0x3FAA] =	sst s5  }
0xe: {  	[smem:$0x3FAB] =	sst s6  }
0xf: {  	[smem:$0x3FAC] =	sst s7  }
0x10: {  	[smem:$0x3FAD] =	sst s8  }
0x11: {  	[smem:$0x3FAE] =	sst s9;
	s0 =	simm.s32 @!p0 $0x0  }
0x12: {  	s1 =	sld [smem:$0x3F94];
	s0 =	simm.s32 @p0 $0x1  }
0x13: {  	[smem:$0x3FAF] =	sst s0;
	s0 =	simm.s32 @!p1 $0x0  }
0x14: {  	s2 =	sld [smem:$0x3F93];
	s0 =	simm.s32 @p1 $0x1  }
0x15: {  	[smem:$0x3FB0] =	sst s0;
	s0 =	simm.s32 @!p2 $0x0  }
0x16: {  	s3 =	sld [smem:$0x3FDB];
	s0 =	simm.s32 @p2 $0x1  }
0x17: {  	s4 =	simm.s32 $0x1BF5;
	[smem:$0x3FB2] =	sst s0  }
0x18: {  	s0 =	sld [smem:$0x3F95];
	_ =	swait.ge [sflag:s4], $0x0  }
0x19: {  	s7 =	sld [smem:$0x3F96]  }
0x1a: {  	s8 =	sadd.s32 $0xFFFFE003, lr  }
0x1b: {  	s9 =	sadd.s32 $0xFFFFFEF7, lr;
	s5 =	simm.s32 $0xFFFFFFFF;
	p2 =	slt.u32 s8, $0xFFFFF086  }
0x1c: {  	p1 =	slt.u32 s9, $0xF7A;
	s5 =	simm.s32 @!p2 $0x0  }
0x1d: {  	s5 =	simm.s32 @p1 $0x1;
	p0 =	seq.s32 s7, s2  }
0x1e: {  	s7 =	smul.u32 @!p0 $0xF7A, s2;
	p2 =	seq.s32 @!p0 s5, $0x0  }
0x1f: {  	s9 =	smul.u32 $0xF7A, s1;
	s8 =	simm.s32 @!p0 $0x1BF5;
	p2 =	por !p2, p0  }
0x20: {  	[sflag:s8] =	ssyncset.s32 @!p0 $0xFFFFF086;
	s6 =	sadd.s32 @!p0 s3, s7;
	s7 =	simm.s32 @!p0 $0x108  }
0x21: {  	s3 =	sadd.s32 s3, s9;
	s6 =	sadd.s32 @!p0 $0x88, s6;
	s7 =	simm.s32 @p2 $0x1082  }
0x22: {  	[simem:s7], [sflag:s8] =	dma.local @!p0 [hbm:s6], $0xF7A  }
0x23: {  	s9 =	sor.u32 $0xD0000000, s2;
	s6 =	simm.s32 $0x108;
	_ =	swait.ge @!p0 [sflag:s8], $0x0  }
0x24: {  	s3 =	sadd.s32 $0x88, s3;
	s6 =	simm.s32 @!p1 $0x1082;
	[sflag:s4] =	ssyncset.s32 $0xFFFFF086  }
0x25: {  	[simem:s6], [sflag:s4] =	dma.local [hbm:s3], $0xF7A  }
0x26: {  	[smem:$0x3F96] =	sst s1;
	(tag) =	ssettag s2;
	_ =	strace s9  }
0x27: {  	s1 =	sld [smem:$0x3FA6]  }
0x28: {  	s2 =	sld [smem:$0x3FA7]  }
0x29: {  	s4 =	sld [smem:$0x3FA9]  }
0x2a: {  	p0 =	seq.s32 s5, $0x0;
	s5 =	sld [smem:$0x3FAA]  }
0x2b: {  	s6 =	sld [smem:$0x3FAB]  }
0x2c: {  	s7 =	sld [smem:$0x3FAC]  }
0x2d: {  	s3 =	simm.s32 $0x108;
	s8 =	sld [smem:$0x3FAD]  }
0x2e: {  	s3 =	simm.s32 @!p0 $0x1082;
	s9 =	sld [smem:$0x3FAE]  }
0x2f: {  	lr =	sadd.s32 s0, s3;
	s0 =	sld [smem:$0x3FA5]  }
0x30: {  	s3 =	sld [smem:$0x3FA8]  }
0x31: {  	[smem:$0x3FB1] =	sst s10  }
0x32: {  	s10 =	sld [smem:$0x3FAF];
	_ =	sdelay $0x3  }
0x33: {  	p0 =	seq.s32 s10, $0x1;
	s10 =	sld [smem:$0x3FB1];
	_ =	sdelay $0x3  }
0x34: {  	[smem:$0x3FB1] =	sst s10  }
0x35: {  	s10 =	sld [smem:$0x3FB0];
	_ =	sdelay $0x3  }
0x36: {  	p1 =	seq.s32 s10, $0x1;
	s10 =	sld [smem:$0x3FB1];
	_ =	sdelay $0x3  }
0x37: {  	[smem:$0x3FB1] =	sst s10  }
0x38: {  	s10 =	sld [smem:$0x3FB2]  }
0x39: {  	_ = 	snop;
	(pc) =	sbr.ind lr, $3  }
0x3a: {  	_ = 	snop  }
0x3b: {  	_ = 	snop  }
0x3c: {  	p2 =	seq.s32 s10, $0x1;
	s10 =	sld [smem:$0x3FB1]  }
0x3d: {  	_ =	shalt  }
0x3e: {  	_ =	shalt  }
0x3f: {  	_ =	shalt  }
0x40: {  	_ =	shalt  }
0x41: {  	_ =	shalt  }
0x42: {  	_ =	shalt  }
0x43: {  	_ =	shalt  }
0x44: {  	_ =	shalt  }
0x45: {  	_ =	shalt  }
0x46: {  	_ =	shalt  }
0x47: {  	_ =	shalt  }
0x48: {  	_ =	shalt  }
0x49: {  	_ =	shalt  }
0x4a: {  	_ =	shalt  }
0x4b: {  	_ =	shalt  }
0x4c: {  	_ =	shalt  }
0x4d: {  	_ =	shalt  }
0x4e: {  	_ =	shalt  }
0x4f: {  	_ =	shalt  }
0x50: {  	_ =	shalt  }
0x51: {  	_ =	shalt  }
0x52: {  	_ =	shalt  }
0x53: {  	_ =	shalt  }
0x54: {  	_ =	shalt  }
0x55: {  	_ =	shalt  }
0x56: {  	_ =	shalt  }
0x57: {  	_ =	shalt  }
0x58: {  	_ =	shalt  }
0x59: {  	_ =	shalt  }
0x5a: {  	_ =	shalt  }
0x5b: {  	_ =	shalt  }
0x5c: {  	_ =	shalt  }
0x5d: {  	_ =	shalt  }
0x5e: {  	_ =	shalt  }
0x5f: {  	_ =	shalt  }
0x60: {  	_ =	shalt  }
0x61: {  	_ =	shalt  }
0x62: {  	_ =	shalt  }
0x63: {  	_ =	shalt  }
0x64: {  	_ =	shalt  }
0x65: {  	_ =	shalt  }
0x66: {  	_ =	shalt  }
0x67: {  	_ =	shalt  }
0x68: {  	_ =	shalt  }
0x69: {  	_ =	shalt  }
0x6a: {  	_ =	shalt  }
0x6b: {  	_ =	shalt  }
0x6c: {  	_ =	shalt  }
0x6d: {  	_ =	shalt  }
0x6e: {  	_ =	shalt  }
0x6f: {  	_ =	shalt  }
0x70: {  	_ =	shalt  }
0x71: {  	_ =	shalt  }
0x72: {  	_ =	shalt  }
0x73: {  	_ =	shalt  }
0x74: {  	_ =	shalt  }
0x75: {  	_ =	shalt  }
0x76: {  	_ =	shalt  }
0x77: {  	_ =	shalt  }
0x78: {  	_ =	shalt  }
0x79: {  	_ =	shalt  }
0x7a: {  	_ =	shalt  }
0x7b: {  	_ =	shalt  }
0x7c: {  	_ =	shalt  }
0x7d: {  	_ =	shalt  }
0x7e: {  	_ =	shalt  }
0x7f: {  	_ =	shalt  }
0x80: {  	_ =	shalt  }
0x81: {  	_ =	shalt  }
0x82: {  	_ =	shalt  }
0x83: {  	_ =	shalt  }
0x84: {  	_ =	shalt  }
0x85: {  	_ =	shalt  }
0x86: {  	_ =	shalt  }
0x87: {  	_ =	shalt  }
.Lfunc_end0:
.L_simem_size_0:
called_computation_lowered:
.L_overlay_start_0:
0x88: {  	s2 =	sld [smem:$0x3FD9]  }
0x89: {  	s3 =	sld [smem:$0x3FFE];
	_ =	sdelay $0x1  }
0x8a: {  	s1 =	srdreg.scid  }
0x8b: {  	s0 =	sand.u32 $0x1, s1  }
0x8c: {  	s17 =	sshll.u32 s0, $0xA;
	s2 =	sadd.s32 s3, s2  }
0x8d: {  	s2 =	sadd.s32 s2, s17  }
0x8e: {  	[smem:$0x3FBD] =	sst s2  }
0x8f: {  	_ = 	snop  }
0x90: {  	s2 =	sld [smem:$0x3FD0];
	(tm) =	ssettm $0x1  }
0x91: {  	s18 =	sld [smem:$0x3FFB];
	_ =	sdelay $0x3  }
0x92: {  	_ =	strace s18  }
0x93: {  	s3 =	sld [smem:$0x3FFC];
	_ =	sdelay $0x3  }
0x94: {  	_ =	strace s3  }
0x95: {  	s3 =	sld [smem:$0x3FFD];
	_ =	sdelay $0x3  }
0x96: {  	_ =	strace s3  }
0x97: {  	_ =	strace $0x8FFFFFFF  }
0x98: {  	s19 =	sld [smem:$0x3FDB];
	_ =	sdelay $0x1  }
0x99: {  	s4 =	simm.s32 $_scs_section_size  }
0x9a: {  	s5 =	simm.s32 $_size__tile_overlayer_lowered;
	s6 =	simm.s32 $_tile_overlayer_lowered  }
0x9b: {  	s22 =	simm.s32 $0x1BFF;
	s21 =	sshll.u32 s6, $0x1;
	s3 =	sadd.s32 s4, s19  }
0x9c: {  	s7 =	simm.s32 $0x0;
	s20 =	sshll.u32 s5, $0x1;
	s5 =	sadd.s32 s21, s3  }
0x9d: {  	[timem:s7], [sflag:s22] =	dma.local [hbm:s5], s20  }
0x9e: {  	_ =	swait.ge [sflag:s22], s20  }
0x9f: {  	s4 =	ssub.s32 $0x0, s20;
	[sflag:s22] =	ssyncset.done $0x0  }
0xa0: {  	[sflag:s22] =	ssyncadd.s32 s4;
	_ =	sdelay $0x1  }
0xa1: {  	s23 =	simm.s32 $0x1B8B  }
0xa2: {  	_ =	swait.ge [sflag:s23], $0x1  }
0xa3: {  	[sflag:s23] =	ssyncset.done $0x0  }
0xa4: {  	s25 =	simm.s32 $0x1B8E;
	s24 =	sld [smem:$0x3FFE];
	[sflag:s23] =	ssyncadd.s32 $0xFFFFFFFF  }
0xa5: {  	s26 =	simm.s32 $execute0_lowered;
	[smem:$0x3FD2] =	sst s25  }
0xa6: {  	s5 =	sshll.u32 s26, $0x1;
	_ =	strace $0x80000046;
	[dreg:$0x1] =	wrdreg $0xFFFFFFFF  }
0xa7: {  	s28 =	simm.s32 $_size_execute0_lowered;
	s3 =	sadd.s32 s3, s5;
	[dreg:$0x0] =	wrdreg $0x0  }
0xa8: {  	s5 =	sshll.u32 s28, $0x1;
	[dreg:$0x2] =	wrdreg s3  }
0xa9: {  	[dreg:$0x3] =	wrdreg s5  }
0xaa: {  	[dreg:$0x4] =	wrdreg $0xC0  }
0xab: {  	_ =	task [dreg:s7], $0x5FFFF  }
0xac: {  	[dreg:$0x1] =	wrdreg $0xFFFFFFFF  }
0xad: {  	[dreg:$0x0] =	wrdreg $0x60  }
0xae: {  	[dreg:$0x2] =	wrdreg s24  }
0xaf: {  	[dreg:$0x3] =	wrdreg s2  }
0xb0: {  	[dreg:$0x4] =	wrdreg $0xC6000  }
0xb1: {  	[dreg:$0x5] =	wrdreg $0x9  }
0xb2: {  	_ =	task.clear_ibuf [dreg:s7], $0x6FFFF;
	_ =	strace $0x90000046  }
0xb3: {  	s29 =	simm.s32 $0x9;
	_ =	strace $0x80000048  }
0xb4: {  	_ =	swait.ge [sflag:s29], $0x1  }
0xb5: {  	[sflag:s29] =	ssyncadd.s32 $0xFFFFFFFF  }
0xb6: {  	_ =	strace $0x90000048  }
0xb7: {  	_ =	sfence  }
0xb8: {  	s30 =	sld [smem:$0x0];
	_ =	sdelay $0x2  }
0xb9: {  	s31 =	sshll.u32 s1, $0xD;
	s1 =	sshrl.u32 s1, $0x2  }
0xba: {  	s3 =	sand.u32 $0x4000, s31;
	s1 =	sadd.s32 s1, s30  }
0xbb: {  	s0 =	sor.u32 s3, s0;
	s1 =	sshll.u32 s1, $0x11  }
0xbc: {  	s0 =	sor.u32 s1, s0  }
0xbd: {  	s0 =	sadd.s32 $0x8F2B, s0  }
0xbe: {  	[sflag:s0] =	ssyncadd.remote.s32 $0x1  }
0xbf: {  	_ =	sfence.sel $0xFFFF  }
0xc0: {  	[dreg:$0x0] =	wrdreg $0xFFFFFFFF;
	(pc) =	sbr.abs _section_cstart, $3  }
0xc1: {  	[dreg:$0x1] =	wrdreg $0xFFFFFFFF  }
0xc2: {  	_ =	task.clear_ibuf [dreg:s7], $0x2FFFF;
	_ =	strace $0x9FFFFFFF  }
0xc3: {  	(tm) =	ssettm $0x7FFFFFFF  }
tec
execute0_lowered:
.L_overlay_start_1:
0x0: {  	(tag) =	ssettag $0x1  }
0x1: {  	s0 =	rddreg [dreg:$0x0]  }
0x2: {  	s2 =	rddreg [dreg:$0x1]  }
0x3: {  	s20 =	rddreg [dreg:$0x2]  }
0x4: {  	s1 =	simm.s32 $0x0;
	s4 =	srdreg.scid;
	s17 =	stileid.u32  }
0x5: {  	[smem:$0x7FF] =	sst s1;
	s3 =	sadd.s32 $0x1600, s0;
	s5 =	sadd.s32 $0x9DA00, s0  }
0x6: {  	s16 =	sadd.s32 $0xA7800, s0;
	s4 =	sand.u32 $0x1, s4;
	s10 =	smul.u32 $0x4F000, s17  }
0x7: {  	s0 =	sadd.s32 $0xAA000, s0;
	s25 =	smul.u32 $0x13C00, s17;
	s26 =	sshll.u32 s17, $0x7  }
0x8: {  	s12 =	sadd.s32 $0x128400, s20;
	s1 =	simm.s32 $0x0;
	_ =	strace $0x80000047  }
0x9: {  	[dreg:$0x6] =	wrdreg s16;
	s7 =	ssub.s32 $0x2, s4;
	s6 =	sshll.u32 s4, $0x4  }
0xa: {  	s24 =	smul.u32 $0x138800, s4;
	s4 =	sshll.u32 s4, $0xB;
	s9 =	sor.u32 s17, s6  }
0xb: {  	[dreg:$0xf] =	wrdreg s12;
	p0 =	slt.u32 s9, $0x4;
	s9 =	sshll.u32 s9, $0x4  }
0xc: {  	s8 =	sshrl.u32 s7, $0x1;
	s4 =	sor.u32 s26, s4;
	s18 =	sadd.s32 s5, s9  }
0xd: {  	s7 =	ssub.s32 s7, s8;
	s19 =	sadd.s32 s2, s9;
	[dreg:$0x7] =	wrdreg s18  }
0xe: {  	s21 =	sor.u32 $0x200, s9;
	s30 =	smax.u32 s7, $0x1;
	[dreg:$0x8] =	wrdreg s19  }
0xf: {  	s4 =	sor.u32 $0x3000, s4;
	s11 =	sadd.s32 s5, s21;
	[dreg:$0x12] =	wrdreg s30  }
0x10: {  	s22 =	sor.u32 $0x400, s9;
	s8 =	sadd.s32 s2, s21;
	[dreg:$0x9] =	wrdreg s11  }
0x11: {  	s4 =	sshrl.u32 s4, $0x3;
	s9 =	sadd.s32 s5, s22;
	[dreg:$0xa] =	wrdreg s8  }
0x12: {  	s23 =	sshrl.u32 s10, $0x2;
	s29 =	sadd.s32 s4, s2;
	[dreg:$0xb] =	wrdreg s9  }
0x13: {  	s31 =	sadd.s32 s4, s5;
	s8 =	sadd.s32 s2, s22;
	[dreg:$0x5] =	wrdreg s29  }
0x14: {  	s11 =	simm.s32 $0x7;
	s9 =	sadd.s32 s25, s24;
	[dreg:$0x4] =	wrdreg s31  }
0x15: {  	[dreg:$0xc] =	wrdreg s8;
	s8 =	sadd.s32 s23, s20;
	s11 =	simm.s32 @!p0 $0x9  }
0x16: {  	s9 =	sshrl.u32 s9, $0x3;
	[dreg:$0xd] =	wrdreg s8;
	s8 =	sshrl.u32 s24, $0x3  }
0x17: {  	[dreg:$0xe] =	wrdreg s11;
	s8 =	sadd.s32 s0, s8;
	s0 =	sadd.s32 s0, s9  }
0x18: {  	s6 =	simm.s32 $0x4F;
	[dreg:$0x10] =	wrdreg s0;
	s28 =	sadd.s32 $0x25080, s8  }
0x19: {  	s6 =	simm.s32 @!p0 $0x4E;
	p0 =	seq.s32 s17, $0xF;
	[dreg:$0x11] =	wrdreg s28  }
.LBB2_1:
0x1a: {  	[dreg:$0x13] =	wrdreg s1  }
0x1b: {  	s31 =	simm.s32 $0x0;
	s0 =	rddreg [dreg:$0x7]  }
0x1c: {  	[tilespmem:s31], [sflag:$0x1] =	stream.linear.gather [hbm4b:s0+s31], $0x80, $0x38;
	[tilespmem:$0x1FE80] =	vst v63  }
0x1d: {  	s7 =	rddreg [dreg:$0x8];
	s2 =	simm.s32 $0x200  }
0x1e: {  	[tilespmem:s2], [sflag:$0x1] =	stream.linear.gather [hbm4b:s7+s31], $0x80, $0x38;
	[tilespmem:$0x1FE80] =	vst v63  }
0x1f: {  	s8 =	rddreg [dreg:$0x9];
	s9 =	simm.s32 $0x80  }
0x20: {  	[tilespmem:s9], [sflag:$0x2] =	stream.linear.gather [hbm4b:s8+s31], $0x80, $0x38;
	[tilespmem:$0x1FE80] =	vst v63  }
0x21: {  	s10 =	rddreg [dreg:$0xa];
	s4 =	simm.s32 $0x280  }
0x22: {  	[tilespmem:s4], [sflag:$0x2] =	stream.linear.gather [hbm4b:s10+s31], $0x80, $0x38;
	[tilespmem:$0x1FE80] =	vst v63  }
0x23: {  	s11 =	rddreg [dreg:$0xb];
	s12 =	simm.s32 $0x100  }
0x24: {  	[tilespmem:s12], [sflag:$0x3] =	stream.linear.gather [hbm4b:s11+s31], $0x80, $0x38;
	[tilespmem:$0x1FE80] =	vst v63  }
0x25: {  	s13 =	rddreg [dreg:$0xc];
	s14 =	simm.s32 $0x300;
	s15 =	simm.s32 $0x1  }
0x26: {  	[tilespmem:s14], [sflag:$0x3] =	stream.linear.gather [hbm4b:s13+s31], $0x80, $0x38;
	[tilespmem:$0x1FE80] =	vst v63  }
0x27: {  	_ =	swait.ge [sflag:s15], $0x80  }
0x28: {  	[sflag:s15] =	ssyncset.done $0x0  }
0x29: {  	[sflag:s15] =	ssyncadd.s32 $0xFFFFFF80  }
0x2a: {  	s16 =	simm.s32 $0x600;
	s17 =	simm.s32 $0x2;
	_ =	swait.ge [sflag:s15], $0x80  }
0x2b: {  	s18 =	simm.s32 $0x4600;
	s5 =	simm.s32 @p0 $0x1FCA;
	[sflag:s15] =	ssyncset.done $0x0  }
0x2c: {  	s19 =	simm.s32 $0xFFFFFFFF;
	s23 =	simm.s32 $0x1;
	[sflag:s15] =	ssyncadd.s32 $0xFFFFFF80  }
0x2d: {  	[tilespmem:s16], [sflag:$0x4] =	stream.indirect.gather [hbm4b:s3+s9], $0x80, s31, s9, $0xb8;
	[tilespmem:$0x1FE80] =	vst v63  }
0x2e: {  	p1 =	sne.s32 s6, $0x1;
	s25 =	simm.s32 $0xC600;
	_ =	swait.ge [sflag:s17], $0x80  }
0x2f: {  	s28 =	simm.s32 $0x4600;
	s21 =	smulhi.u32 $0xAAAAAAAB, s31;
	[sflag:s17] =	ssyncset.done $0x0  }
0x30: {  	p3 =	por $0x1, $0x1;
	s4 =	smulhi.u32 $0xAAAAAAAB, s17;
	[sflag:s17] =	ssyncadd.s32 $0xFFFFFF80  }
0x31: {  	p2 =	sle.u32 s6, $0x2;
	s22 =	sshrl.u32 s21, $0x2;
	_ =	swait.ge [sflag:s17], $0x80  }
0x32: {  	s10 =	sshrl.u32 s4, $0x1;
	[sflag:s17] =	ssyncset.done $0x0;
	s0 =	rddreg [dreg:$0xf]  }
0x33: {  	s2 =	rddreg [dreg:$0x6];
	[sflag:s17] =	ssyncadd.s32 $0xFFFFFF80;
	s0 =	sshrl.u32 @p0 s0, $0x3  }
0x34: {  	[tilespmem:s18], [sflag:$0x5] =	stream.indirect.gather [hbm4b:s3+s9], $0x80, s9, s9, $0xb8;
	[tilespmem:$0x1FE80] =	vst v63  }
0x35: {  	s7 =	simm.s32 $0x3;
	s11 =	smul.u32 $0xFFFFFFF4, s10;
	[dreg:$0x14] =	wrdreg s0  }
0x36: {  	[spmem:s0], [sflag:s5] =	dma.local @p0 [hbm:s2], $0x2080  }
0x37: {  	s8 =	simm.s32 $0x4;
	s4 =	simm.s32 $0x200;
	s5 =	simm.s32 @p0 $0xA  }
0x38: {  	s11 =	sshra.s32 s11, $0x2;
	s0 =	stileid.u32;
	_ =	swait.ge @p0 [sflag:s5], $0x2080  }
0x39: {  	s15 =	smul.u32 $0xFFFFFA00, s10;
	s0 =	sshll.u32 @!p0 s0, $0x6;
	[sflag:s5] =	ssyncset.done @p0 $0x0  }
0x3a: {  	[sflag:s5] =	ssyncadd.s32 @p0 $0xFFFFDF80;
	s5 =	sor.u32 @!p0 $0x1C0A, s0;
	s0 =	rddreg [dreg:$0xd]  }
0x3b: {  	s9 =	simm.s32 $0x3;
	s0 =	sshrl.u32 @!p0 s0, $0x3;
	[dreg:$0x15] =	wrdreg s5  }
0x3c: {  	s14 =	sadd.s32 $0x3, s11;
	s29 =	smulhi.u32 $0xAAAAAAAB, s9;
	[dreg:$0x16] =	wrdreg s0  }
0x3d: {  	[spmem:s0], [sflag:s5] =	dma.local @!p0 [hbm:s2], $0x2780  }
0x3e: {  	s10 =	smul.u32 $0xFFFD0000, s10;
	s31 =	sshrl.u32 s29, $0x1;
	s0 =	simm.s32 @!p0 $0xA  }
0x3f: {  	s16 =	smul.u32 $0xFFFFFA00, s31;
	s2 =	sshrl.u32 s21, $0x1;
	_ =	swait.ge @!p0 [sflag:s0], $0x2780  }
0x40: {  	s11 =	sadd.s32 $0x6, s11;
	s12 =	smul.u32 $0xFFFFFFF4, s2;
	[sflag:s0] =	ssyncset.done @!p0 $0x0  }
0x41: {  	s15 =	sshra.s32 s15, $0x2;
	[sflag:s0] =	ssyncadd.s32 @!p0 $0xFFFFD880;
	s0 =	smulhi.u32 $0xAAAAAAAB, s19  }
0x42: {  	s10 =	sshra.s32 s10, $0x2;
	s9 =	simm.s32 $0x4;
	s5 =	smul.u32 $0xFFFFF400, s22  }
0x43: {  	s16 =	sshra.s32 s16, $0x2;
	s12 =	sshra.s32 s12, $0x2;
	s0 =	sshrl.u32 s0, $0x1  }
0x44: {  	s5 =	sshra.s32 s5, $0x2;
	s24 =	sadd.s32 $0x0, s12;
	s0 =	smul.u32 $0xFFFFFFF4, s0  }
0x45: {  	s13 =	sadd.s32 $0x200, s5;
	[bflag:$0x0] =	sbarrier.arrive $0xFFFF;
	s5 =	sadd.s32 $0x4, s24  }
0x46: {  	s2 =	smul.u32 $0xFFFD0000, s2;
	_ =	swait.ge [sflag:s5], $0x4000;
	s0 =	sshra.s32 s0, $0x2  }
0x47: {  	s22 =	sadd.s32 $0x180, s16;
	[sflag:s5] =	ssyncset.done $0x0;
	s0 =	sadd.s32 $0x6, s0  }
0x48: {  	s26 =	sshra.s32 s2, $0x2;
	[sflag:s5] =	ssyncadd.s32 $0xFFFFC000;
	s0 =	sadd.s32 @!p3 $0x0, s0  }
0x49: {  	s12 =	sadd.s32 $0x7, s12;
	s18 =	sadd.s32 $0x0, s13;
	_ =	swait.ge @!p3 [sflag:s0], $0x4000  }
0x4a: {  	s13 =	smul.u32 $0xFFFFFFF4, s31;
	s21 =	sadd.s32 $0x600, s26;
	[sflag:s0] =	ssyncset.done @!p3 $0x0  }
0x4b: {  	s5 =	sadd.s32 $0x100, s15;
	s15 =	sadd.s32 @!p2 $0x0, s14;
	[sflag:s0] =	ssyncadd.s32 @!p3 $0xFFFFC000  }
0x4c: {  	s17 =	sadd.s32 $0x0, s12;
	s24 =	simm.s32 @!p2 $0x80;
	_ =	swait.ge @!p2 [sflag:s15], $0x80  }
0x4d: {  	s12 =	sshra.s32 s13, $0x2;
	s13 =	simm.s32 $0x0;
	[sflag:s15] =	ssyncset.done @!p2 $0x0  }
.Ltmp0:
0x4e: {  	s14 =	sadd.s32 $0x8600, s10;
	[sflag:s15] =	ssyncadd.s32 @!p2 $0xFFFFFF80;
	(pc) =	sbr.rel @!p1 .LBB2_3-.Ltmp0, $4  }
0x4f: {  	s10 =	simm.s32 $0x0;
	s0 =	sadd.s32 @!p2 $0x0, s5;
	_ =	swait.ge @!p2 [sflag:s15], $0x80  }
0x50: {  	s5 =	sadd.s32 @!p2 $0x0, s11;
	s11 =	sshrl.u32 s29, $0x2;
	s2 =	rddreg [dreg:$0x4]  }
0x51: {  	p3 =	sle.u32 s6, $0x3;
	[sflag:s15] =	ssyncset.done @!p2 $0x0;
	s30 =	rddreg [dreg:$0x5]  }
0x52: {  	[sflag:s15] =	ssyncadd.s32 @!p2 $0xFFFFFF80;
	s15 =	smul.u32 $0xFFFFF400, s11;
	s11 =	simm.s32 $0x0  }
.LBB2_2:
0x53: {  	s26 =	sadd.s32 $0x4, s12;
	s19 =	sshra.s32 @!p3 s11, $0x2;
	s12 =	smov.u32 s23  }
0x54: {  	s16 =	smov.u32 s25;
	s13 =	sshra.s32 @!p3 s13, $0x2;
	s29 =	simm.s32 @!p3 $0x0  }
0x55: {  	[tilespmem:s14], [sflag:s5] =	stream.indirect.gather @!p2 [hbm4b:s3+s24], $0x80, s0, s24, $0xb8;
	[tilespmem:$0x1FE80] =	vst v63  }
0x56: {  	s23 =	sadd.s32 $0x1, s23;
	s2 =	sadd.s32 @!p3 s11, s2;
	s1 =	simm.s32 $0x80  }
0x57: {  	s14 =	sadd.s32 @!p3 s11, s30;
	s11 =	smov.u32 s4;
	s25 =	sadd.s32 $0x4000, s25  }
0x58: {  	s4 =	sadd.s32 $0x200, s4;
	s31 =	sshra.s32 s15, $0x2;
	s15 =	smov.u32 s28  }
0x59: {  	s0 =	sadd.s32 @!p3 s19, s22;
	s5 =	sadd.s32 @!p3 s13, s26;
	s24 =	smulhi.u32 $0xAAAAAAAB, s12  }
0x5a: {  	[spmem:s20] =	stream.indirect.scatter.add.f32 [tilespmem:s21], [sflag:s17], $0x80, s18, s1, $0xb8;
	[tilespmem:$0x1FE80] =	vst v63  }
0x5b: {  	p1 =	sne.s32 s23, s6;
	s28 =	sadd.s32 $0x4000, s28;
	s26 =	smulhi.u32 $0xAAAAAAAB, s7  }
0x5c: {  	[tilespmem:s0], [sflag:s5] =	stream.linear.gather @!p3 [hbm4b:s2+s29], $0x80, $0x38;
	[tilespmem:$0x1FE80] =	vst v63  }
0x5d: {  	s7 =	sadd.s32 $0x1, s7;
	s30 =	sshra.s32 s11, $0x2;
	s0 =	sshrl.u32 s24, $0x2  }
0x5e: {  	s31 =	sadd.s32 $0x380, s31;
	s2 =	sshrl.u32 s26, $0x1;
	s0 =	smul.u32 $0xFFFFF400, s0  }
0x5f: {  	s18 =	smov.u32 s8;
	s13 =	sadd.s32 @!p3 s19, s31;
	s31 =	smul.u32 $0xFFFFFFF4, s2  }
0x60: {  	[tilespmem:s13], [sflag:s5] =	stream.linear.gather @!p3 [hbm4b:s14+s29], $0x80, $0x38;
	[tilespmem:$0x1FE80] =	vst v63  }
0x61: {  	s8 =	sadd.s32 $0x1, s8;
	s29 =	smulhi.u32 $0xAAAAAAAB, s10;
	s14 =	sshrl.u32 s24, $0x1  }
0x62: {  	s21 =	sshra.s32 s9, $0x2;
	s13 =	smov.u32 s9;
	s1 =	smul.u32 $0xFFFFFFF4, s14  }
0x63: {  	p3 =	seq.s32 s9, $0x0;
	s17 =	sshra.s32 s31, $0x2;
	s31 =	smul.u32 $0xFFFFFA00, s2  }
0x64: {  	s10 =	sadd.s32 $0x1, s10;
	s0 =	sshra.s32 s0, $0x2;
	s2 =	smul.u32 $0xFFFD0000, s2  }
0x65: {  	s22 =	sshra.s32 @!p3 s9, $0x2;
	s14 =	smul.u32 $0xFFFD0000, s14;
	s5 =	sshrl.u32 s29, $0x1  }
0x66: {  	s26 =	sadd.s32 $0x200, s0;
	s0 =	sadd.s32 $0x2, s12;
	s29 =	sadd.s32 $0x3, s17  }
0x67: {  	s5 =	smul.u32 $0xFFFFFFF4, s5;
	s19 =	sshra.s32 s1, $0x2;
	s1 =	sadd.s32 $0x6, s17  }
0x68: {  	s31 =	sshra.s32 s31, $0x2;
	p2 =	sge.u32 s0, s6;
	s2 =	sshra.s32 s2, $0x2  }
0x69: {  	s24 =	sadd.s32 s21, s19;
	s17 =	sadd.s32 $0x7, s19;
	s5 =	sshra.s32 s5, $0x2  }
0x6a: {  	s19 =	sshra.s32 @!p2 s11, $0x2;
	s24 =	sadd.s32 $0x4, s24;
	s5 =	sadd.s32 $0x6, s5  }
0x6b: {  	s17 =	sadd.s32 s21, s17;
	_ =	swait.ge [sflag:s24], $0x4000;
	s5 =	sadd.s32 @!p3 s22, s5  }
0x6c: {  	s22 =	sadd.s32 $0x100, s31;
	[sflag:s24] =	ssyncset.done $0x0;
	s31 =	sshra.s32 s14, $0x2  }
0x6d: {  	s14 =	sadd.s32 s2, s16;
	[sflag:s24] =	ssyncadd.s32 $0xFFFFC000;
	s24 =	sshra.s32 @!p2 s9, $0x2  }
0x6e: {  	s0 =	sadd.s32 @!p2 s19, s22;
	s19 =	smulhi.u32 $0xAAAAAAAB, s18;
	s9 =	sadd.s32 $0x4, s9  }
0x6f: {  	s18 =	sadd.s32 s30, s26;
	s21 =	sadd.s32 s31, s15;
	_ =	swait.ge @!p3 [sflag:s5], $0x4000  }
0x70: {  	s31 =	sadd.s32 $0x3, s12;
	[sflag:s5] =	ssyncset.done @!p3 $0x0;
	s22 =	sshrl.u32 s19, $0x1  }
0x71: {  	s29 =	sadd.s32 @!p2 s24, s29;
	[sflag:s5] =	ssyncadd.s32 @!p3 $0xFFFFC000;
	s26 =	smul.u32 $0xFFFFFA00, s22  }
0x72: {  	s5 =	sadd.s32 @!p2 s24, s1;
	s16 =	smul.u32 $0xFFFFFFF4, s22;
	_ =	swait.ge @!p2 [sflag:s29], $0x80  }
.Ltmp1:
0x73: {  	s24 =	simm.s32 @!p2 $0x80;
	[sflag:s29] =	ssyncset.done @!p2 $0x0;
	(pc) =	sbr.rel @p1 .LBB2_2-.Ltmp1, $4  }
0x74: {  	s1 =	sshrl.u32 s19, $0x2;
	p3 =	sge.u32 s31, s6;
	[sflag:s29] =	ssyncadd.s32 @!p2 $0xFFFFFF80  }
0x75: {  	s15 =	smul.u32 $0xFFFFF400, s1;
	s19 =	sshra.s32 s26, $0x2;
	_ =	swait.ge @!p2 [sflag:s29], $0x80  }
0x76: {  	s12 =	sshra.s32 s16, $0x2;
	[sflag:s29] =	ssyncset.done @!p2 $0x0;
	s2 =	rddreg [dreg:$0x4]  }
0x77: {  	s22 =	sadd.s32 $0x180, s19;
	s30 =	rddreg [dreg:$0x5];
	[sflag:s29] =	ssyncadd.s32 @!p2 $0xFFFFFF80  }
.LBB2_3:
0x78: {  	[tilespmem:s14], [sflag:s5] =	stream.indirect.gather @!p2 [hbm4b:s3+s24], $0x80, s0, s24, $0xb8;
	[tilespmem:$0x1FE80] =	vst v63  }
0x79: {  	s26 =	simm.s32 $0x80;
	s0 =	sadd.s32 $0x4, s12;
	s1 =	sshra.s32 @!p3 s13, $0x2  }
0x7a: {  	s4 =	sshra.s32 @!p3 s11, $0x2;
	s2 =	sadd.s32 @!p3 s11, s2;
	s0 =	sadd.s32 @!p3 s1, s0  }
0x7b: {  	[spmem:s20] =	stream.indirect.scatter.add.f32 [tilespmem:s21], [sflag:s17], $0x80, s18, s26, $0xb8;
	[tilespmem:$0x1FE80] =	vst v63  }
0x7c: {  	s1 =	simm.s32 @!p3 $0x0;
	s5 =	sadd.s32 @!p3 s4, s22;
	s28 =	sshra.s32 s15, $0x2  }
0x7d: {  	[tilespmem:s5], [sflag:s0] =	stream.linear.gather @!p3 [hbm4b:s2+s1], $0x80, $0x38;
	[tilespmem:$0x1FE80] =	vst v63  }
0x7e: {  	s2 =	sadd.s32 $0x380, s28  }
0x7f: {  	s29 =	rddreg [dreg:$0xe];
	s2 =	sadd.s32 @!p3 s4, s2;
	s4 =	sadd.s32 @!p3 s11, s30  }
0x80: {  	[tilespmem:s2], [sflag:s0] =	stream.linear.gather @!p3 [hbm4b:s4+s1], $0x80, $0x38;
	[tilespmem:$0x1FE80] =	vst v63  }
0x81: {  	_ =	swait.ge [sflag:s29], $0x4000  }
0x82: {  	[sflag:s29] =	ssyncset.done $0x0  }
0x83: {  	[sflag:s29] =	ssyncadd.s32 $0xFFFFC000  }
0x84: {  	[bflag:$0x0] =	sbarrier.arrive $0xFFFF  }
0x85: {  	s0 =	rddreg [dreg:$0x11]  }
0x86: {  	s2 =	simm.s32 @p0 $0x1FCA;
	s1 =	rddreg [dreg:$0x14]  }
0x87: {  	[hbm:s0], [sflag:s2] =	dma.local @p0 [spmem:s1], $0x2080  }
0x88: {  	s0 =	simm.s32 @p0 $0xA  }
0x89: {  	_ =	swait.ge @p0 [sflag:s0], $0x2080  }
0x8a: {  	s1 =	rddreg [dreg:$0x15]  }
0x8b: {  	[sflag:s0] =	ssyncset.done @p0 $0x0;
	s2 =	rddreg [dreg:$0x16]  }
0x8c: {  	[sflag:s0] =	ssyncadd.s32 @p0 $0xFFFFDF80;
	s0 =	rddreg [dreg:$0x10]  }
0x8d: {  	[hbm:s0], [sflag:s1] =	dma.local @!p0 [spmem:s2], $0x2780  }
0x8e: {  	s2 =	simm.s32 @!p0 $0xA  }
0x8f: {  	_ =	swait.ge @!p0 [sflag:s2], $0x2780  }
0x90: {  	s30 =	rddreg [dreg:$0x13]  }
0x91: {  	s31 =	rddreg [dreg:$0x12];
	s1 =	sadd.s32 $0x1, s30  }
0x92: {  	p1 =	sne.s32 s1, s31  }
.Ltmp2:
0x93: {  	_ = 	snop;
	(pc) =	sbr.rel @p1 .LBB2_1-.Ltmp2, $3  }
0x94: {  	_ =	sdelay $0x1  }
0x95: {  	[sflag:s2] =	ssyncset.done @!p0 $0x0  }
0x96: {  	[sflag:s2] =	ssyncadd.s32 @!p0 $0xFFFFD880  }
0x97: {  	_ =	sfence.sel $0x180000  }
0x98: {  	[bflag:$0x0] =	sbarrier.arrive $0xFFFF  }
0x99: {  	_ =	strace $0x90000047  }
0x9a: {  	s0 =	stileid.u32;
	[bflag:$0x2] =	sbarrier.arrive $0xFFFF  }
0x9b: {  	p0 =	sne.s32 s0, $0x0;
	s0 =	rddreg [dreg:$0x3]  }
0x9c: {  	s0 =	sadd.s32 @!p0 $0x100000, s0  }
0x9d: {  	[sflag:s0] =	ssyncadd.tile.s32 @!p0 $0x1;
	_ =	shalt  }
.Lfunc_end2:
_tile_overlayer_lowered:
.L_overlay_start_2:
0x9e: {  	(tag) =	ssettag $0x2  }
0x9f: {  	s0 =	rddreg [dreg:$0x0];
	s2 =	stileid.u32  }
0xa0: {  	s1 =	rddreg [dreg:$0x1];
	p0 =	sne.s32 s2, $0x0  }
0xa1: {  	s3 =	rddreg [dreg:$0x2];
	[bflag:$0x3] =	sbarrier.arrive $0xFFFF;
	s2 =	simm.s32 @!p0 $0x1C0A  }
0xa2: {  	[timem:s3], [sflag:s2] =	dma.local @!p0 [hbm:s0], s1  }
0xa3: {  	s0 =	simm.s32 @!p0 $0xA  }
0xa4: {  	_ =	swait.ge @!p0 [sflag:s0], s1  }
0xa5: {  	s1 =	ssub.s32 @!p0 $0x0, s1;
	[sflag:s0] =	ssyncset.done @!p0 $0x0  }
0xa6: {  	[sflag:s0] =	ssyncadd.s32 @!p0 s1  }
0xa7: {  	[bflag:$0x3] =	sbarrier.arrive $0xFFFF  }
0xa8: {  	_ =	shalt  }

</sc_bundles>
